<compile_context>
chip_gen: v7x
topology: tpu7x:2x2x1
jax: 0.10.2.dev20260603
libtpu: 0.0.44.dev20260713+nightly
codegen_flags: <defaults>
</compile_context>

<pallas_src>
import functools

import jax
import jax.numpy as jnp
from jax.experimental import pallas as pl
from jax.experimental.pallas import tpu as pltpu

_N_NODES = 102
_NPAD = 104
_IN = 2
_HID = 512
_EMB = 256
_TILE_F = 128


def _fused_kernel(x_ref, rc_ref, wg_ref, bg_ref, wp_ref, bp_ref, o_ref,
                  me_ref, mo_ref):
    t = x_ref.shape[0]

    @pl.when(pl.program_id(0) == 0)
    def _build_adjacency():
        rc = rc_ref[...]
        row = rc[0:1, :]
        col = rc[1:2, :]
        e_tot = rc.shape[1]
        iota_n = jax.lax.broadcasted_iota(jnp.int32, (_NPAD, e_tot), 0)
        cmask = (iota_n == col).astype(jnp.float32)
        rmask = (iota_n == row).astype(jnp.float32)
        deg = jnp.sum(cmask, axis=1, keepdims=True)
        dinv = jnp.where(deg > 0, jax.lax.rsqrt(deg), 0.0)
        dinv_col = jnp.sum(cmask * dinv, axis=0, keepdims=True)
        dinv_row = jnp.sum(rmask * dinv, axis=0, keepdims=True)
        norm = dinv_row * dinv_col
        iota_k = jax.lax.broadcasted_iota(jnp.int32, (2 * _N_NODES, e_tot), 0)
        pe = (iota_k == 2 * row).astype(jnp.float32)
        po = (iota_k == 2 * row + 1).astype(jnp.float32)
        q = cmask * norm
        dims = (((1,), (1,)), ((), ()))
        me_ref[...] = jax.lax.dot_general(pe, q, dims,
                                          preferred_element_type=jnp.float32)
        mo_ref[...] = jax.lax.dot_general(po, q, dims,
                                          preferred_element_type=jnp.float32)

    x = x_ref[...]
    ye = jnp.dot(x, me_ref[...], preferred_element_type=jnp.float32)
    yo = jnp.dot(x, mo_ref[...], preferred_element_type=jnp.float32)
    wg = wg_ref[...]
    h = (ye[:, :, None] * wg[0][None, None, :]
         + yo[:, :, None] * wg[1][None, None, :]
         + bg_ref[...][None])
    h = jnp.maximum(h, 0.0).reshape(t * _NPAD, _HID)
    o2 = (jnp.dot(h, wp_ref[...], preferred_element_type=jnp.float32)
          + bp_ref[...])
    for f in range(t):
        o_ref[f] = o2[f * _NPAD:f * _NPAD + _N_NODES, :]


@functools.partial(jax.jit, static_argnames=())
def kernel(x, edge_index, W_gcn, b_gcn, W_proj, b_proj):
    B, n, _ = x.shape
    F = B * n
    x2 = x.reshape(F, _IN * _N_NODES)

    loops = jnp.arange(_N_NODES, dtype=edge_index.dtype)
    rc = jnp.concatenate(
        [edge_index, jnp.stack([loops, loops], axis=0)], axis=1)

    grid = F // _TILE_F

    out4 = pl.pallas_call(
        _fused_kernel,
        grid=(grid,),
        in_specs=[
            pl.BlockSpec((_TILE_F, _IN * _N_NODES), lambda i: (i, 0)),
            pl.BlockSpec(rc.shape, lambda i: (0, 0)),
            pl.BlockSpec((_IN, _HID), lambda i: (0, 0)),
            pl.BlockSpec((1, _HID), lambda i: (0, 0)),
            pl.BlockSpec((_HID, _EMB), lambda i: (0, 0)),
            pl.BlockSpec((1, _EMB), lambda i: (0, 0)),
        ],
        out_specs=pl.BlockSpec((_TILE_F, _N_NODES, _EMB), lambda i: (i, 0, 0)),
        out_shape=jax.ShapeDtypeStruct((F, _N_NODES, _EMB), jnp.float32),
        scratch_shapes=[
            pltpu.VMEM((_IN * _N_NODES, _NPAD), jnp.float32),
            pltpu.VMEM((_IN * _N_NODES, _NPAD), jnp.float32),
        ],
    )(x2, rc, W_gcn, b_gcn.reshape(1, _HID), W_proj, b_proj.reshape(1, _EMB))

    return out4.reshape(B, n, _N_NODES, _EMB)

# --- scband reference (transcript-rebuilt; emitter-appended) ---
"""Pipeline reference for scband-gnnembeddings-6940667150732 (READ-ONLY COPY).

The authoritative reference and input builder live on the scoring server;
editing this copy changes nothing except your own understanding.
"""

import jax, jax.numpy as jnp
import numpy as np

EDGES = [[0, 6], [0, 5], [6, 8], [5, 7], [0, 31], [31, 32], [32, 33], [28, 33], [28, 29], [29, 30], [30, 31], [0, 43], [40, 41], [41, 42], [42, 43], [43, 44], [44, 45], [45, 46], [46, 47], [47, 48], [48, 49], [49, 50], [50, 51], [40, 51], [40, 52], [46, 56], [52, 53], [53, 54], [54, 55], [55, 56], [56, 57], [57, 58], [58, 59], [52, 59], [0, 34], [34, 35], [35, 36], [36, 37], [37, 38], [38, 39], [34, 39], [7, 60], [60, 61], [61, 62], [62, 63], [63, 64], [60, 65], [65, 66], [66, 67], [67, 68], [60, 69], [69, 70], [70, 71], [71, 72], [60, 73], [73, 74], [74, 75], [75, 76], [60, 77], [77, 78], [78, 79], [79, 80], [8, 81], [81, 82], [82, 83], [83, 84], [84, 85], [81, 86], [86, 87], [87, 88], [88, 89], [81, 90], [90, 91], [91, 92], [92, 93], [81, 94], [94, 95], [95, 96], [96, 97], [81, 98], [98, 99], [99, 100], [100, 101]]
N_NODES = 102
IN_SIZE = 2
HIDDEN = 512
EMB = 256


def setup_inputs(seed: int = 0) -> dict:
    key = jax.random.key(seed)
    k1, k2, k3 = jax.random.split(key, 3)
    x = jax.random.normal(k1, (8, 128, 204), dtype=jnp.float32)
    W_gcn = jax.random.normal(k2, (IN_SIZE, HIDDEN), dtype=jnp.float32) * (1.0 / np.sqrt(IN_SIZE))
    b_gcn = jnp.zeros((HIDDEN,), dtype=jnp.float32)
    W_proj = jax.random.normal(k3, (HIDDEN, EMB), dtype=jnp.float32) * (1.0 / np.sqrt(HIDDEN))
    b_proj = jnp.zeros((EMB,), dtype=jnp.float32)
    edge_index = jnp.asarray(np.asarray(EDGES, dtype=np.int64).T)  # [2, 84]
    return {"x": x, "edge_index": edge_index, "W_gcn": W_gcn, "b_gcn": b_gcn, "W_proj": W_proj, "b_proj": b_proj}


def reference(x, edge_index, W_gcn, b_gcn, W_proj, b_proj):
    B, n, _ = x.shape
    xr = x.reshape(B * n, N_NODES, IN_SIZE)
    # GCNConv with add_self_loops=True and symmetric normalization (gcn_norm)
    loop = jnp.arange(N_NODES, dtype=edge_index.dtype)
    row = jnp.concatenate([edge_index[0], loop])
    col = jnp.concatenate([edge_index[1], loop])
    deg = jnp.zeros((N_NODES,), dtype=jnp.float32).at[col].add(1.0)
    deg_inv_sqrt = jnp.where(deg > 0, 1.0 / jnp.sqrt(deg), 0.0)
    norm = deg_inv_sqrt[row] * deg_inv_sqrt[col]
    xw = xr @ W_gcn                         # [F, 102, HIDDEN]
    msgs = xw[:, row, :] * norm[None, :, None]
    agg = jnp.zeros_like(xw).at[:, col, :].add(msgs)
    h = agg + b_gcn
    h = jax.nn.relu(h)
    out = h @ W_proj + b_proj               # [F, 102, EMB]
    return out.reshape(B, n, N_NODES, EMB)

if __name__ == "__main__":
    import jax
    _d = setup_inputs()
    print(jax.jit(kernel)(*tuple(_d.values())))

</pallas_src>

<mosaic_0001>
module attributes {stable_mosaic.version = 14 : i64} {
  func.func @_fused_kernel(%arg0: i32, %arg1: memref<128x204xf32, #tpu.memory_space<vmem>>, %arg2: memref<2x185xi32, #tpu.memory_space<vmem>>, %arg3: memref<2x512xf32, #tpu.memory_space<vmem>>, %arg4: memref<1x512xf32, #tpu.memory_space<vmem>>, %arg5: memref<512x256xf32, #tpu.memory_space<vmem>>, %arg6: memref<1x256xf32, #tpu.memory_space<vmem>>, %arg7: memref<128x102x256xf32, #tpu.memory_space<vmem>>, %arg8: memref<204x104xf32, #tpu.memory_space<vmem>>, %arg9: memref<204x104xf32, #tpu.memory_space<vmem>>) attributes {dimension_semantics = [#tpu.dimension_semantics<arbitrary>], iteration_bounds = array<i64: 8>, scalar_prefetch = 0 : i64, scratch_operands = 2 : i64, tpu.core_type = #tpu.core_type<tc>, window_params = [{transform_indices = @transform_0, window_bounds = array<i64: 128, 204>}, {pipeline_mode = #tpu.pipeline_mode<synchronous>, transform_indices = @transform_1, window_bounds = array<i64: 2, 185>}, {pipeline_mode = #tpu.pipeline_mode<synchronous>, transform_indices = @transform_2, window_bounds = array<i64: 2, 512>}, {pipeline_mode = #tpu.pipeline_mode<synchronous>, transform_indices = @transform_3, window_bounds = array<i64: 1, 512>}, {pipeline_mode = #tpu.pipeline_mode<synchronous>, transform_indices = @transform_4, window_bounds = array<i64: 512, 256>}, {pipeline_mode = #tpu.pipeline_mode<synchronous>, transform_indices = @transform_5, window_bounds = array<i64: 1, 256>}, {transform_indices = @transform_6, window_bounds = array<i64: 128, 102, 256>}]} {
    %eq3A = arith.constant 0 : i32
    %eq3A_0 = arith.cmpi eq, %arg0, %eq3A : i32
    %convert_element_type3A = arith.extui %eq3A_0 : i1 to i32
    %cond3A = arith.constant 0 : i32
    %cond3A_1 = arith.cmpi ne, %convert_element_type3A, %cond3A : i32
    scf.if %cond3A_1 {
      %get3A_939 = arith.constant 0 : index
      %get3A_940 = arith.constant 0 : index
      %get3A_941 = vector.load %arg2[%get3A_939, %get3A_940] : memref<2x185xi32, #tpu.memory_space<vmem>>, vector<2x185xi32>
      %slice3A_942 = vector.extract_strided_slice %get3A_941 {offsets = [0, 0], sizes = [1, 185], strides = [1, 1]} : vector<2x185xi32> to vector<1x185xi32>
      %slice3A_943 = vector.extract_strided_slice %get3A_941 {offsets = [1, 0], sizes = [1, 185], strides = [1, 1]} : vector<2x185xi32> to vector<1x185xi32>
      %iota3A = tpu.iota {dimensions = array<i32: 0>} : vector<104x185xi32>
      %eq3A_944 = vector.broadcast %slice3A_943 : vector<1x185xi32> to vector<104x185xi32>
      %eq3A_945 = arith.cmpi eq, %iota3A, %eq3A_944 : vector<104x185xi32>
      %convert_element_type3A_946 = arith.extui %eq3A_945 : vector<104x185xi1> to vector<104x185xi32>
      %convert_element_type3A_947 = arith.sitofp %convert_element_type3A_946 : vector<104x185xi32> to vector<104x185xf32>
      %eq3A_948 = vector.broadcast %slice3A_942 : vector<1x185xi32> to vector<104x185xi32>
      %eq3A_949 = arith.cmpi eq, %iota3A, %eq3A_948 : vector<104x185xi32>
      %convert_element_type3A_950 = arith.extui %eq3A_949 : vector<104x185xi1> to vector<104x185xi32>
      %convert_element_type3A_951 = arith.sitofp %convert_element_type3A_950 : vector<104x185xi32> to vector<104x185xf32>
      %reduce_sum3A = arith.constant dense<0.000000e+00> : vector<104xf32>
      %reduce_sum3A_952 = vector.multi_reduction <add>, %convert_element_type3A_947, %reduce_sum3A [1] : vector<104x185xf32> to vector<104xf32>
      %broadcast_in_dim3A_953 = vector.shape_cast %reduce_sum3A_952 : vector<104xf32> to vector<104x1xf32>
      %gt3A = arith.constant 0.000000e+00 : f32
      %gt3A_954 = vector.broadcast %gt3A : f32 to vector<104x1xf32>
      %gt3A_955 = arith.cmpf ogt, %broadcast_in_dim3A_953, %gt3A_954 : vector<104x1xf32>
      %rsqrt3A = math.rsqrt %broadcast_in_dim3A_953 : vector<104x1xf32>
      %jit3A = arith.constant 0.000000e+00 : f32
      %broadcast_in_dim3A_956 = vector.broadcast %jit3A : f32 to vector<104x1xf32>
      %select_n3A = arith.select %gt3A_955, %rsqrt3A, %broadcast_in_dim3A_956 : vector<104x1xi1>, vector<104x1xf32>
      %mul3A_957 = vector.broadcast %select_n3A : vector<104x1xf32> to vector<104x185xf32>
      %mul3A_958 = arith.mulf %convert_element_type3A_947, %mul3A_957 : vector<104x185xf32>
      %reduce_sum3A_959 = arith.constant dense<0.000000e+00> : vector<185xf32>
      %reduce_sum3A_960 = vector.multi_reduction <add>, %mul3A_958, %reduce_sum3A_959 [0] : vector<104x185xf32> to vector<185xf32>
      %broadcast_in_dim3A_961 = vector.shape_cast %reduce_sum3A_960 : vector<185xf32> to vector<1x185xf32>
      %mul3A_962 = vector.broadcast %select_n3A : vector<104x1xf32> to vector<104x185xf32>
      %mul3A_963 = arith.mulf %convert_element_type3A_951, %mul3A_962 : vector<104x185xf32>
      %reduce_sum3A_964 = arith.constant dense<0.000000e+00> : vector<185xf32>
      %reduce_sum3A_965 = vector.multi_reduction <add>, %mul3A_963, %reduce_sum3A_964 [0] : vector<104x185xf32> to vector<185xf32>
      %broadcast_in_dim3A_966 = vector.shape_cast %reduce_sum3A_965 : vector<185xf32> to vector<1x185xf32>
      %mul3A_967 = arith.mulf %broadcast_in_dim3A_966, %broadcast_in_dim3A_961 : vector<1x185xf32>
      %iota3A_968 = tpu.iota {dimensions = array<i32: 0>} : vector<204x185xi32>
      %mul3A_969 = arith.constant 2 : i32
      %mul3A_970 = vector.broadcast %mul3A_969 : i32 to vector<1x185xi32>
      %mul3A_971 = arith.muli %mul3A_970, %slice3A_942 : vector<1x185xi32>
      %eq3A_972 = vector.broadcast %mul3A_971 : vector<1x185xi32> to vector<204x185xi32>
      %eq3A_973 = arith.cmpi eq, %iota3A_968, %eq3A_972 : vector<204x185xi32>
      %convert_element_type3A_974 = arith.extui %eq3A_973 : vector<204x185xi1> to vector<204x185xi32>
      %convert_element_type3A_975 = arith.sitofp %convert_element_type3A_974 : vector<204x185xi32> to vector<204x185xf32>
      %mul3A_976 = arith.constant 2 : i32
      %mul3A_977 = vector.broadcast %mul3A_976 : i32 to vector<1x185xi32>
      %mul3A_978 = arith.muli %mul3A_977, %slice3A_942 : vector<1x185xi32>
      %add3A_979 = arith.constant 1 : i32
      %add3A_980 = vector.broadcast %add3A_979 : i32 to vector<1x185xi32>
      %add3A_981 = arith.addi %mul3A_978, %add3A_980 : vector<1x185xi32>
      %eq3A_982 = vector.broadcast %add3A_981 : vector<1x185xi32> to vector<204x185xi32>
      %eq3A_983 = arith.cmpi eq, %iota3A_968, %eq3A_982 : vector<204x185xi32>
      %convert_element_type3A_984 = arith.extui %eq3A_983 : vector<204x185xi1> to vector<204x185xi32>
      %convert_element_type3A_985 = arith.sitofp %convert_element_type3A_984 : vector<204x185xi32> to vector<204x185xf32>
      %mul3A_986 = vector.broadcast %mul3A_967 : vector<1x185xf32> to vector<104x185xf32>
      %mul3A_987 = arith.mulf %convert_element_type3A_947, %mul3A_986 : vector<104x185xf32>
      %dot_general3A_988 = arith.constant dense<0.000000e+00> : vector<204x104xf32>
      %dot_general3A_989 = tpu.matmul %convert_element_type3A_975, %mul3A_987, %dot_general3A_988 {dimension_numbers = #tpu.dot_dimension_numbers<[1], [1], [0], [0], [0, 0, 1, 0], [], []>, transpose_lhs_hint = false} : vector<204x185xf32>, vector<104x185xf32>, vector<204x104xf32> -> vector<204x104xf32>
      %swap3A_990 = arith.constant 0 : index
      %swap3A_991 = arith.constant 0 : index
      %swap3A_992 = vector.load %arg8[%swap3A_990, %swap3A_991] : memref<204x104xf32, #tpu.memory_space<vmem>>, vector<204x104xf32>
      tpu.vector_store %arg8[%swap3A_990, %swap3A_991], %dot_general3A_989 {strides = array<i32>} : memref<204x104xf32, #tpu.memory_space<vmem>>, vector<204x104xf32>,
      %dot_general3A_993 = arith.constant dense<0.000000e+00> : vector<204x104xf32>
      %dot_general3A_994 = tpu.matmul %convert_element_type3A_985, %mul3A_987, %dot_general3A_993 {dimension_numbers = #tpu.dot_dimension_numbers<[1], [1], [0], [0], [0, 0, 1, 0], [], []>, transpose_lhs_hint = false} : vector<204x185xf32>, vector<104x185xf32>, vector<204x104xf32> -> vector<204x104xf32>
      %swap3A_995 = arith.constant 0 : index
      %swap3A_996 = arith.constant 0 : index
      %swap3A_997 = vector.load %arg9[%swap3A_995, %swap3A_996] : memref<204x104xf32, #tpu.memory_space<vmem>>, vector<204x104xf32>
      tpu.vector_store %arg9[%swap3A_995, %swap3A_996], %dot_general3A_994 {strides = array<i32>} : memref<204x104xf32, #tpu.memory_space<vmem>>, vector<204x104xf32>,
    } else {
    }
    %get3A = arith.constant 0 : index
    %get3A_2 = arith.constant 0 : index
    %get3A_3 = vector.load %arg1[%get3A, %get3A_2] : memref<128x204xf32, #tpu.memory_space<vmem>>, vector<128x204xf32>
    %get3A_4 = arith.constant 0 : index
    %get3A_5 = arith.constant 0 : index
    %get3A_6 = vector.load %arg8[%get3A_4, %get3A_5] : memref<204x104xf32, #tpu.memory_space<vmem>>, vector<204x104xf32>
    %dot_general3A = arith.constant dense<0.000000e+00> : vector<128x104xf32>
    %dot_general3A_7 = tpu.matmul %get3A_3, %get3A_6, %dot_general3A {dimension_numbers = #tpu.dot_dimension_numbers<[1], [0], [0], [1], [0, 0, 1, 1], [], []>, transpose_lhs_hint = false} : vector<128x204xf32>, vector<204x104xf32>, vector<128x104xf32> -> vector<128x104xf32>
    %get3A_8 = arith.constant 0 : index
    %get3A_9 = arith.constant 0 : index
    %get3A_10 = vector.load %arg9[%get3A_8, %get3A_9] : memref<204x104xf32, #tpu.memory_space<vmem>>, vector<204x104xf32>
    %dot_general3A_11 = arith.constant dense<0.000000e+00> : vector<128x104xf32>
    %dot_general3A_12 = tpu.matmul %get3A_3, %get3A_10, %dot_general3A_11 {dimension_numbers = #tpu.dot_dimension_numbers<[1], [0], [0], [1], [0, 0, 1, 1], [], []>, transpose_lhs_hint = false} : vector<128x204xf32>, vector<204x104xf32>, vector<128x104xf32> -> vector<128x104xf32>
    %get3A_13 = arith.constant 0 : index
    %get3A_14 = arith.constant 0 : index
    %get3A_15 = vector.load %arg3[%get3A_13, %get3A_14] : memref<2x512xf32, #tpu.memory_space<vmem>>, vector<2x512xf32>
    %broadcast_in_dim3A = vector.shape_cast %dot_general3A_7 : vector<128x104xf32> to vector<128x104x1xf32>
    %slice3A = vector.extract_strided_slice %get3A_15 {offsets = [0, 0], sizes = [1, 512], strides = [1, 1]} : vector<2x512xf32> to vector<1x512xf32>
    %squeeze3A = vector.shape_cast %slice3A : vector<1x512xf32> to vector<512xf32>
    %broadcast_in_dim3A_16 = vector.shape_cast %squeeze3A : vector<512xf32> to vector<1x1x512xf32>
    %mul3A = vector.broadcast %broadcast_in_dim3A : vector<128x104x1xf32> to vector<128x104x512xf32>
    %mul3A_17 = vector.broadcast %broadcast_in_dim3A_16 : vector<1x1x512xf32> to vector<128x104x512xf32>
    %mul3A_18 = arith.mulf %mul3A, %mul3A_17 : vector<128x104x512xf32>
    %broadcast_in_dim3A_19 = vector.shape_cast %dot_general3A_12 : vector<128x104xf32> to vector<128x104x1xf32>
    %slice3A_20 = vector.extract_strided_slice %get3A_15 {offsets = [1, 0], sizes = [1, 512], strides = [1, 1]} : vector<2x512xf32> to vector<1x512xf32>
    %squeeze3A_21 = vector.shape_cast %slice3A_20 : vector<1x512xf32> to vector<512xf32>
    %broadcast_in_dim3A_22 = vector.shape_cast %squeeze3A_21 : vector<512xf32> to vector<1x1x512xf32>
    %mul3A_23 = vector.broadcast %broadcast_in_dim3A_19 : vector<128x104x1xf32> to vector<128x104x512xf32>
    %mul3A_24 = vector.broadcast %broadcast_in_dim3A_22 : vector<1x1x512xf32> to vector<128x104x512xf32>
    %mul3A_25 = arith.mulf %mul3A_23, %mul3A_24 : vector<128x104x512xf32>
    %add3A = arith.addf %mul3A_18, %mul3A_25 : vector<128x104x512xf32>
    %get3A_26 = arith.constant 0 : index
    %get3A_27 = arith.constant 0 : index
    %get3A_28 = vector.load %arg4[%get3A_26, %get3A_27] : memref<1x512xf32, #tpu.memory_space<vmem>>, vector<1x512xf32>
    %broadcast_in_dim3A_29 = vector.shape_cast %get3A_28 : vector<1x512xf32> to vector<1x1x512xf32>
    %add3A_30 = vector.broadcast %broadcast_in_dim3A_29 : vector<1x1x512xf32> to vector<128x104x512xf32>
    %add3A_31 = arith.addf %add3A, %add3A_30 : vector<128x104x512xf32>
    %max3A = arith.constant 0.000000e+00 : f32
    %max3A_32 = vector.broadcast %max3A : f32 to vector<128x104x512xf32>
    %max3A_33 = arith.maximumf %add3A_31, %max3A_32 : vector<128x104x512xf32>
    %reshape3A = vector.shape_cast %max3A_33 : vector<128x104x512xf32> to vector<13312x512xf32>
    %get3A_34 = arith.constant 0 : index
    %get3A_35 = arith.constant 0 : index
    %get3A_36 = vector.load %arg5[%get3A_34, %get3A_35] : memref<512x256xf32, #tpu.memory_space<vmem>>, vector<512x256xf32>
    %dot_general3A_37 = arith.constant dense<0.000000e+00> : vector<13312x256xf32>
    %dot_general3A_38 = tpu.matmul %reshape3A, %get3A_36, %dot_general3A_37 {dimension_numbers = #tpu.dot_dimension_numbers<[1], [0], [0], [1], [0, 0, 1, 1], [], []>, transpose_lhs_hint = false} : vector<13312x512xf32>, vector<512x256xf32>, vector<13312x256xf32> -> vector<13312x256xf32>
    %get3A_39 = arith.constant 0 : index
    %get3A_40 = arith.constant 0 : index
    %get3A_41 = vector.load %arg6[%get3A_39, %get3A_40] : memref<1x256xf32, #tpu.memory_space<vmem>>, vector<1x256xf32>
    %add3A_42 = vector.broadcast %get3A_41 : vector<1x256xf32> to vector<13312x256xf32>
    %add3A_43 = arith.addf %dot_general3A_38, %add3A_42 : vector<13312x256xf32>
    %slice3A_44 = vector.extract_strided_slice %add3A_43 {offsets = [0, 0], sizes = [102, 256], strides = [1, 1]} : vector<13312x256xf32> to vector<102x256xf32>
    %swap3A = arith.constant 0 : index
    %swap3A_45 = arith.constant 0 : index
    %swap3A_46 = arith.constant 0 : index
    %swap3A_47 = vector.load %arg7[%swap3A, %swap3A_45, %swap3A_46] : memref<128x102x256xf32, #tpu.memory_space<vmem>>, vector<1x102x256xf32>
    %swap3A_48 = vector.shape_cast %swap3A_47 : vector<1x102x256xf32> to vector<102x256xf32>
    %swap3A_49 = vector.shape_cast %slice3A_44 : vector<102x256xf32> to vector<1x102x256xf32>
    tpu.vector_store %arg7[%swap3A, %swap3A_45, %swap3A_46], %swap3A_49 {strides = array<i32>} : memref<128x102x256xf32, #tpu.memory_space<vmem>>, vector<1x102x256xf32>,
    %slice3A_50 = vector.extract_strided_slice %add3A_43 {offsets = [104, 0], sizes = [102, 256], strides = [1, 1]} : vector<13312x256xf32> to vector<102x256xf32>
    %swap3A_51 = arith.constant 1 : index
    %swap3A_52 = arith.constant 0 : index
    %swap3A_53 = arith.constant 0 : index
    %swap3A_54 = vector.load %arg7[%swap3A_51, %swap3A_52, %swap3A_53] : memref<128x102x256xf32, #tpu.memory_space<vmem>>, vector<1x102x256xf32>
    %swap3A_55 = vector.shape_cast %swap3A_54 : vector<1x102x256xf32> to vector<102x256xf32>
    %swap3A_56 = vector.shape_cast %slice3A_50 : vector<102x256xf32> to vector<1x102x256xf32>
    tpu.vector_store %arg7[%swap3A_51, %swap3A_52, %swap3A_53], %swap3A_56 {strides = array<i32>} : memref<128x102x256xf32, #tpu.memory_space<vmem>>, vector<1x102x256xf32>,
    %slice3A_57 = vector.extract_strided_slice %add3A_43 {offsets = [208, 0], sizes = [102, 256], strides = [1, 1]} : vector<13312x256xf32> to vector<102x256xf32>
    %swap3A_58 = arith.constant 2 : index
    %swap3A_59 = arith.constant 0 : index
    %swap3A_60 = arith.constant 0 : index
    %swap3A_61 = vector.load %arg7[%swap3A_58, %swap3A_59, %swap3A_60] : memref<128x102x256xf32, #tpu.memory_space<vmem>>, vector<1x102x256xf32>
    %swap3A_62 = vector.shape_cast %swap3A_61 : vector<1x102x256xf32> to vector<102x256xf32>
    %swap3A_63 = vector.shape_cast %slice3A_57 : vector<102x256xf32> to vector<1x102x256xf32>
    tpu.vector_store %arg7[%swap3A_58, %swap3A_59, %swap3A_60], %swap3A_63 {strides = array<i32>} : memref<128x102x256xf32, #tpu.memory_space<vmem>>, vector<1x102x256xf32>,
    %slice3A_64 = vector.extract_strided_slice %add3A_43 {offsets = [312, 0], sizes = [102, 256], strides = [1, 1]} : vector<13312x256xf32> to vector<102x256xf32>
    %swap3A_65 = arith.constant 3 : index
    %swap3A_66 = arith.constant 0 : index
    %swap3A_67 = arith.constant 0 : index
    %swap3A_68 = vector.load %arg7[%swap3A_65, %swap3A_66, %swap3A_67] : memref<128x102x256xf32, #tpu.memory_space<vmem>>, vector<1x102x256xf32>
    %swap3A_69 = vector.shape_cast %swap3A_68 : vector<1x102x256xf32> to vector<102x256xf32>
    %swap3A_70 = vector.shape_cast %slice3A_64 : vector<102x256xf32> to vector<1x102x256xf32>
    tpu.vector_store %arg7[%swap3A_65, %swap3A_66, %swap3A_67], %swap3A_70 {strides = array<i32>} : memref<128x102x256xf32, #tpu.memory_space<vmem>>, vector<1x102x256xf32>,
    %slice3A_71 = vector.extract_strided_slice %add3A_43 {offsets = [416, 0], sizes = [102, 256], strides = [1, 1]} : vector<13312x256xf32> to vector<102x256xf32>
    %swap3A_72 = arith.constant 4 : index
    %swap3A_73 = arith.constant 0 : index
    %swap3A_74 = arith.constant 0 : index
    %swap3A_75 = vector.load %arg7[%swap3A_72, %swap3A_73, %swap3A_74] : memref<128x102x256xf32, #tpu.memory_space<vmem>>, vector<1x102x256xf32>
    %swap3A_76 = vector.shape_cast %swap3A_75 : vector<1x102x256xf32> to vector<102x256xf32>
    %swap3A_77 = vector.shape_cast %slice3A_71 : vector<102x256xf32> to vector<1x102x256xf32>
    tpu.vector_store %arg7[%swap3A_72, %swap3A_73, %swap3A_74], %swap3A_77 {strides = array<i32>} : memref<128x102x256xf32, #tpu.memory_space<vmem>>, vector<1x102x256xf32>,
    %slice3A_78 = vector.extract_strided_slice %add3A_43 {offsets = [520, 0], sizes = [102, 256], strides = [1, 1]} : vector<13312x256xf32> to vector<102x256xf32>
    %swap3A_79 = arith.constant 5 : index
    %swap3A_80 = arith.constant 0 : index
    %swap3A_81 = arith.constant 0 : index
    %swap3A_82 = vector.load %arg7[%swap3A_79, %swap3A_80, %swap3A_81] : memref<128x102x256xf32, #tpu.memory_space<vmem>>, vector<1x102x256xf32>
    %swap3A_83 = vector.shape_cast %swap3A_82 : vector<1x102x256xf32> to vector<102x256xf32>
    %swap3A_84 = vector.shape_cast %slice3A_78 : vector<102x256xf32> to vector<1x102x256xf32>
    tpu.vector_store %arg7[%swap3A_79, %swap3A_80, %swap3A_81], %swap3A_84 {strides = array<i32>} : memref<128x102x256xf32, #tpu.memory_space<vmem>>, vector<1x102x256xf32>,
    %slice3A_85 = vector.extract_strided_slice %add3A_43 {offsets = [624, 0], sizes = [102, 256], strides = [1, 1]} : vector<13312x256xf32> to vector<102x256xf32>
    %swap3A_86 = arith.constant 6 : index
    %swap3A_87 = arith.constant 0 : index
    %swap3A_88 = arith.constant 0 : index
    %swap3A_89 = vector.load %arg7[%swap3A_86, %swap3A_87, %swap3A_88] : memref<128x102x256xf32, #tpu.memory_space<vmem>>, vector<1x102x256xf32>
    %swap3A_90 = vector.shape_cast %swap3A_89 : vector<1x102x256xf32> to vector<102x256xf32>
    %swap3A_91 = vector.shape_cast %slice3A_85 : vector<102x256xf32> to vector<1x102x256xf32>
    tpu.vector_store %arg7[%swap3A_86, %swap3A_87, %swap3A_88], %swap3A_91 {strides = array<i32>} : memref<128x102x256xf32, #tpu.memory_space<vmem>>, vector<1x102x256xf32>,
    %slice3A_92 = vector.extract_strided_slice %add3A_43 {offsets = [728, 0], sizes = [102, 256], strides = [1, 1]} : vector<13312x256xf32> to vector<102x256xf32>
    %swap3A_93 = arith.constant 7 : index
    %swap3A_94 = arith.constant 0 : index
    %swap3A_95 = arith.constant 0 : index
    %swap3A_96 = vector.load %arg7[%swap3A_93, %swap3A_94, %swap3A_95] : memref<128x102x256xf32, #tpu.memory_space<vmem>>, vector<1x102x256xf32>
    %swap3A_97 = vector.shape_cast %swap3A_96 : vector<1x102x256xf32> to vector<102x256xf32>
    %swap3A_98 = vector.shape_cast %slice3A_92 : vector<102x256xf32> to vector<1x102x256xf32>
    tpu.vector_store %arg7[%swap3A_93, %swap3A_94, %swap3A_95], %swap3A_98 {strides = array<i32>} : memref<128x102x256xf32, #tpu.memory_space<vmem>>, vector<1x102x256xf32>,
    %slice3A_99 = vector.extract_strided_slice %add3A_43 {offsets = [832, 0], sizes = [102, 256], strides = [1, 1]} : vector<13312x256xf32> to vector<102x256xf32>
    %swap3A_100 = arith.constant 8 : index
    %swap3A_101 = arith.constant 0 : index
    %swap3A_102 = arith.constant 0 : index
    %swap3A_103 = vector.load %arg7[%swap3A_100, %swap3A_101, %swap3A_102] : memref<128x102x256xf32, #tpu.memory_space<vmem>>, vector<1x102x256xf32>
    %swap3A_104 = vector.shape_cast %swap3A_103 : vector<1x102x256xf32> to vector<102x256xf32>
    %swap3A_105 = vector.shape_cast %slice3A_99 : vector<102x256xf32> to vector<1x102x256xf32>
    tpu.vector_store %arg7[%swap3A_100, %swap3A_101, %swap3A_102], %swap3A_105 {strides = array<i32>} : memref<128x102x256xf32, #tpu.memory_space<vmem>>, vector<1x102x256xf32>,
    %slice3A_106 = vector.extract_strided_slice %add3A_43 {offsets = [936, 0], sizes = [102, 256], strides = [1, 1]} : vector<13312x256xf32> to vector<102x256xf32>
    %swap3A_107 = arith.constant 9 : index
    %swap3A_108 = arith.constant 0 : index
    %swap3A_109 = arith.constant 0 : index
    %swap3A_110 = vector.load %arg7[%swap3A_107, %swap3A_108, %swap3A_109] : memref<128x102x256xf32, #tpu.memory_space<vmem>>, vector<1x102x256xf32>
    %swap3A_111 = vector.shape_cast %swap3A_110 : vector<1x102x256xf32> to vector<102x256xf32>
    %swap3A_112 = vector.shape_cast %slice3A_106 : vector<102x256xf32> to vector<1x102x256xf32>
    tpu.vector_store %arg7[%swap3A_107, %swap3A_108, %swap3A_109], %swap3A_112 {strides = array<i32>} : memref<128x102x256xf32, #tpu.memory_space<vmem>>, vector<1x102x256xf32>,
    %slice3A_113 = vector.extract_strided_slice %add3A_43 {offsets = [1040, 0], sizes = [102, 256], strides = [1, 1]} : vector<13312x256xf32> to vector<102x256xf32>
    %swap3A_114 = arith.constant 10 : index
    %swap3A_115 = arith.constant 0 : index
    %swap3A_116 = arith.constant 0 : index
    %swap3A_117 = vector.load %arg7[%swap3A_114, %swap3A_115, %swap3A_116] : memref<128x102x256xf32, #tpu.memory_space<vmem>>, vector<1x102x256xf32>
    %swap3A_118 = vector.shape_cast %swap3A_117 : vector<1x102x256xf32> to vector<102x256xf32>
    %swap3A_119 = vector.shape_cast %slice3A_113 : vector<102x256xf32> to vector<1x102x256xf32>
    tpu.vector_store %arg7[%swap3A_114, %swap3A_115, %swap3A_116], %swap3A_119 {strides = array<i32>} : memref<128x102x256xf32, #tpu.memory_space<vmem>>, vector<1x102x256xf32>,
    %slice3A_120 = vector.extract_strided_slice %add3A_43 {offsets = [1144, 0], sizes = [102, 256], strides = [1, 1]} : vector<13312x256xf32> to vector<102x256xf32>
    %swap3A_121 = arith.constant 11 : index
    %swap3A_122 = arith.constant 0 : index
    %swap3A_123 = arith.constant 0 : index
    %swap3A_124 = vector.load %arg7[%swap3A_121, %swap3A_122, %swap3A_123] : memref<128x102x256xf32, #tpu.memory_space<vmem>>, vector<1x102x256xf32>
    %swap3A_125 = vector.shape_cast %swap3A_124 : vector<1x102x256xf32> to vector<102x256xf32>
    %swap3A_126 = vector.shape_cast %slice3A_120 : vector<102x256xf32> to vector<1x102x256xf32>
    tpu.vector_store %arg7[%swap3A_121, %swap3A_122, %swap3A_123], %swap3A_126 {strides = array<i32>} : memref<128x102x256xf32, #tpu.memory_space<vmem>>, vector<1x102x256xf32>,
    %slice3A_127 = vector.extract_strided_slice %add3A_43 {offsets = [1248, 0], sizes = [102, 256], strides = [1, 1]} : vector<13312x256xf32> to vector<102x256xf32>
    %swap3A_128 = arith.constant 12 : index
    %swap3A_129 = arith.constant 0 : index
    %swap3A_130 = arith.constant 0 : index
    %swap3A_131 = vector.load %arg7[%swap3A_128, %swap3A_129, %swap3A_130] : memref<128x102x256xf32, #tpu.memory_space<vmem>>, vector<1x102x256xf32>
    %swap3A_132 = vector.shape_cast %swap3A_131 : vector<1x102x256xf32> to vector<102x256xf32>
    %swap3A_133 = vector.shape_cast %slice3A_127 : vector<102x256xf32> to vector<1x102x256xf32>
    tpu.vector_store %arg7[%swap3A_128, %swap3A_129, %swap3A_130], %swap3A_133 {strides = array<i32>} : memref<128x102x256xf32, #tpu.memory_space<vmem>>, vector<1x102x256xf32>,
    %slice3A_134 = vector.extract_strided_slice %add3A_43 {offsets = [1352, 0], sizes = [102, 256], strides = [1, 1]} : vector<13312x256xf32> to vector<102x256xf32>
    %swap3A_135 = arith.constant 13 : index
    %swap3A_136 = arith.constant 0 : index
    %swap3A_137 = arith.constant 0 : index
    %swap3A_138 = vector.load %arg7[%swap3A_135, %swap3A_136, %swap3A_137] : memref<128x102x256xf32, #tpu.memory_space<vmem>>, vector<1x102x256xf32>
    %swap3A_139 = vector.shape_cast %swap3A_138 : vector<1x102x256xf32> to vector<102x256xf32>
    %swap3A_140 = vector.shape_cast %slice3A_134 : vector<102x256xf32> to vector<1x102x256xf32>
    tpu.vector_store %arg7[%swap3A_135, %swap3A_136, %swap3A_137], %swap3A_140 {strides = array<i32>} : memref<128x102x256xf32, #tpu.memory_space<vmem>>, vector<1x102x256xf32>,
    %slice3A_141 = vector.extract_strided_slice %add3A_43 {offsets = [1456, 0], sizes = [102, 256], strides = [1, 1]} : vector<13312x256xf32> to vector<102x256xf32>
    %swap3A_142 = arith.constant 14 : index
    %swap3A_143 = arith.constant 0 : index
    %swap3A_144 = arith.constant 0 : index
    %swap3A_145 = vector.load %arg7[%swap3A_142, %swap3A_143, %swap3A_144] : memref<128x102x256xf32, #tpu.memory_space<vmem>>, vector<1x102x256xf32>
    %swap3A_146 = vector.shape_cast %swap3A_145 : vector<1x102x256xf32> to vector<102x256xf32>
    %swap3A_147 = vector.shape_cast %slice3A_141 : vector<102x256xf32> to vector<1x102x256xf32>
    tpu.vector_store %arg7[%swap3A_142, %swap3A_143, %swap3A_144], %swap3A_147 {strides = array<i32>} : memref<128x102x256xf32, #tpu.memory_space<vmem>>, vector<1x102x256xf32>,
    %slice3A_148 = vector.extract_strided_slice %add3A_43 {offsets = [1560, 0], sizes = [102, 256], strides = [1, 1]} : vector<13312x256xf32> to vector<102x256xf32>
    %swap3A_149 = arith.constant 15 : index
    %swap3A_150 = arith.constant 0 : index
    %swap3A_151 = arith.constant 0 : index
    %swap3A_152 = vector.load %arg7[%swap3A_149, %swap3A_150, %swap3A_151] : memref<128x102x256xf32, #tpu.memory_space<vmem>>, vector<1x102x256xf32>
    %swap3A_153 = vector.shape_cast %swap3A_152 : vector<1x102x256xf32> to vector<102x256xf32>
    %swap3A_154 = vector.shape_cast %slice3A_148 : vector<102x256xf32> to vector<1x102x256xf32>
    tpu.vector_store %arg7[%swap3A_149, %swap3A_150, %swap3A_151], %swap3A_154 {strides = array<i32>} : memref<128x102x256xf32, #tpu.memory_space<vmem>>, vector<1x102x256xf32>,
    %slice3A_155 = vector.extract_strided_slice %add3A_43 {offsets = [1664, 0], sizes = [102, 256], strides = [1, 1]} : vector<13312x256xf32> to vector<102x256xf32>
    %swap3A_156 = arith.constant 16 : index
    %swap3A_157 = arith.constant 0 : index
    %swap3A_158 = arith.constant 0 : index
    %swap3A_159 = vector.load %arg7[%swap3A_156, %swap3A_157, %swap3A_158] : memref<128x102x256xf32, #tpu.memory_space<vmem>>, vector<1x102x256xf32>
    %swap3A_160 = vector.shape_cast %swap3A_159 : vector<1x102x256xf32> to vector<102x256xf32>
    %swap3A_161 = vector.shape_cast %slice3A_155 : vector<102x256xf32> to vector<1x102x256xf32>
    tpu.vector_store %arg7[%swap3A_156, %swap3A_157, %swap3A_158], %swap3A_161 {strides = array<i32>} : memref<128x102x256xf32, #tpu.memory_space<vmem>>, vector<1x102x256xf32>,
    %slice3A_162 = vector.extract_strided_slice %add3A_43 {offsets = [1768, 0], sizes = [102, 256], strides = [1, 1]} : vector<13312x256xf32> to vector<102x256xf32>
    %swap3A_163 = arith.constant 17 : index
    %swap3A_164 = arith.constant 0 : index
    %swap3A_165 = arith.constant 0 : index
    %swap3A_166 = vector.load %arg7[%swap3A_163, %swap3A_164, %swap3A_165] : memref<128x102x256xf32, #tpu.memory_space<vmem>>, vector<1x102x256xf32>
    %swap3A_167 = vector.shape_cast %swap3A_166 : vector<1x102x256xf32> to vector<102x256xf32>
    %swap3A_168 = vector.shape_cast %slice3A_162 : vector<102x256xf32> to vector<1x102x256xf32>
    tpu.vector_store %arg7[%swap3A_163, %swap3A_164, %swap3A_165], %swap3A_168 {strides = array<i32>} : memref<128x102x256xf32, #tpu.memory_space<vmem>>, vector<1x102x256xf32>,
    %slice3A_169 = vector.extract_strided_slice %add3A_43 {offsets = [1872, 0], sizes = [102, 256], strides = [1, 1]} : vector<13312x256xf32> to vector<102x256xf32>
    %swap3A_170 = arith.constant 18 : index
    %swap3A_171 = arith.constant 0 : index
    %swap3A_172 = arith.constant 0 : index
    %swap3A_173 = vector.load %arg7[%swap3A_170, %swap3A_171, %swap3A_172] : memref<128x102x256xf32, #tpu.memory_space<vmem>>, vector<1x102x256xf32>
    %swap3A_174 = vector.shape_cast %swap3A_173 : vector<1x102x256xf32> to vector<102x256xf32>
    %swap3A_175 = vector.shape_cast %slice3A_169 : vector<102x256xf32> to vector<1x102x256xf32>
    tpu.vector_store %arg7[%swap3A_170, %swap3A_171, %swap3A_172], %swap3A_175 {strides = array<i32>} : memref<128x102x256xf32, #tpu.memory_space<vmem>>, vector<1x102x256xf32>,
    %slice3A_176 = vector.extract_strided_slice %add3A_43 {offsets = [1976, 0], sizes = [102, 256], strides = [1, 1]} : vector<13312x256xf32> to vector<102x256xf32>
    %swap3A_177 = arith.constant 19 : index
    %swap3A_178 = arith.constant 0 : index
    %swap3A_179 = arith.constant 0 : index
    %swap3A_180 = vector.load %arg7[%swap3A_177, %swap3A_178, %swap3A_179] : memref<128x102x256xf32, #tpu.memory_space<vmem>>, vector<1x102x256xf32>
    %swap3A_181 = vector.shape_cast %swap3A_180 : vector<1x102x256xf32> to vector<102x256xf32>
    %swap3A_182 = vector.shape_cast %slice3A_176 : vector<102x256xf32> to vector<1x102x256xf32>
    tpu.vector_store %arg7[%swap3A_177, %swap3A_178, %swap3A_179], %swap3A_182 {strides = array<i32>} : memref<128x102x256xf32, #tpu.memory_space<vmem>>, vector<1x102x256xf32>,
    %slice3A_183 = vector.extract_strided_slice %add3A_43 {offsets = [2080, 0], sizes = [102, 256], strides = [1, 1]} : vector<13312x256xf32> to vector<102x256xf32>
    %swap3A_184 = arith.constant 20 : index
    %swap3A_185 = arith.constant 0 : index
    %swap3A_186 = arith.constant 0 : index
    %swap3A_187 = vector.load %arg7[%swap3A_184, %swap3A_185, %swap3A_186] : memref<128x102x256xf32, #tpu.memory_space<vmem>>, vector<1x102x256xf32>
    %swap3A_188 = vector.shape_cast %swap3A_187 : vector<1x102x256xf32> to vector<102x256xf32>
    %swap3A_189 = vector.shape_cast %slice3A_183 : vector<102x256xf32> to vector<1x102x256xf32>
    tpu.vector_store %arg7[%swap3A_184, %swap3A_185, %swap3A_186], %swap3A_189 {strides = array<i32>} : memref<128x102x256xf32, #tpu.memory_space<vmem>>, vector<1x102x256xf32>,
    %slice3A_190 = vector.extract_strided_slice %add3A_43 {offsets = [2184, 0], sizes = [102, 256], strides = [1, 1]} : vector<13312x256xf32> to vector<102x256xf32>
    %swap3A_191 = arith.constant 21 : index
    %swap3A_192 = arith.constant 0 : index
    %swap3A_193 = arith.constant 0 : index
    %swap3A_194 = vector.load %arg7[%swap3A_191, %swap3A_192, %swap3A_193] : memref<128x102x256xf32, #tpu.memory_space<vmem>>, vector<1x102x256xf32>
    %swap3A_195 = vector.shape_cast %swap3A_194 : vector<1x102x256xf32> to vector<102x256xf32>
    %swap3A_196 = vector.shape_cast %slice3A_190 : vector<102x256xf32> to vector<1x102x256xf32>
    tpu.vector_store %arg7[%swap3A_191, %swap3A_192, %swap3A_193], %swap3A_196 {strides = array<i32>} : memref<128x102x256xf32, #tpu.memory_space<vmem>>, vector<1x102x256xf32>,
    %slice3A_197 = vector.extract_strided_slice %add3A_43 {offsets = [2288, 0], sizes = [102, 256], strides = [1, 1]} : vector<13312x256xf32> to vector<102x256xf32>
    %swap3A_198 = arith.constant 22 : index
    %swap3A_199 = arith.constant 0 : index
    %swap3A_200 = arith.constant 0 : index
    %swap3A_201 = vector.load %arg7[%swap3A_198, %swap3A_199, %swap3A_200] : memref<128x102x256xf32, #tpu.memory_space<vmem>>, vector<1x102x256xf32>
    %swap3A_202 = vector.shape_cast %swap3A_201 : vector<1x102x256xf32> to vector<102x256xf32>
    %swap3A_203 = vector.shape_cast %slice3A_197 : vector<102x256xf32> to vector<1x102x256xf32>
    tpu.vector_store %arg7[%swap3A_198, %swap3A_199, %swap3A_200], %swap3A_203 {strides = array<i32>} : memref<128x102x256xf32, #tpu.memory_space<vmem>>, vector<1x102x256xf32>,
    %slice3A_204 = vector.extract_strided_slice %add3A_43 {offsets = [2392, 0], sizes = [102, 256], strides = [1, 1]} : vector<13312x256xf32> to vector<102x256xf32>
    %swap3A_205 = arith.constant 23 : index
    %swap3A_206 = arith.constant 0 : index
    %swap3A_207 = arith.constant 0 : index
    %swap3A_208 = vector.load %arg7[%swap3A_205, %swap3A_206, %swap3A_207] : memref<128x102x256xf32, #tpu.memory_space<vmem>>, vector<1x102x256xf32>
    %swap3A_209 = vector.shape_cast %swap3A_208 : vector<1x102x256xf32> to vector<102x256xf32>
    %swap3A_210 = vector.shape_cast %slice3A_204 : vector<102x256xf32> to vector<1x102x256xf32>
    tpu.vector_store %arg7[%swap3A_205, %swap3A_206, %swap3A_207], %swap3A_210 {strides = array<i32>} : memref<128x102x256xf32, #tpu.memory_space<vmem>>, vector<1x102x256xf32>,
    %slice3A_211 = vector.extract_strided_slice %add3A_43 {offsets = [2496, 0], sizes = [102, 256], strides = [1, 1]} : vector<13312x256xf32> to vector<102x256xf32>
    %swap3A_212 = arith.constant 24 : index
    %swap3A_213 = arith.constant 0 : index
    %swap3A_214 = arith.constant 0 : index
    %swap3A_215 = vector.load %arg7[%swap3A_212, %swap3A_213, %swap3A_214] : memref<128x102x256xf32, #tpu.memory_space<vmem>>, vector<1x102x256xf32>
    %swap3A_216 = vector.shape_cast %swap3A_215 : vector<1x102x256xf32> to vector<102x256xf32>
    %swap3A_217 = vector.shape_cast %slice3A_211 : vector<102x256xf32> to vector<1x102x256xf32>
    tpu.vector_store %arg7[%swap3A_212, %swap3A_213, %swap3A_214], %swap3A_217 {strides = array<i32>} : memref<128x102x256xf32, #tpu.memory_space<vmem>>, vector<1x102x256xf32>,
    %slice3A_218 = vector.extract_strided_slice %add3A_43 {offsets = [2600, 0], sizes = [102, 256], strides = [1, 1]} : vector<13312x256xf32> to vector<102x256xf32>
    %swap3A_219 = arith.constant 25 : index
    %swap3A_220 = arith.constant 0 : index
    %swap3A_221 = arith.constant 0 : index
    %swap3A_222 = vector.load %arg7[%swap3A_219, %swap3A_220, %swap3A_221] : memref<128x102x256xf32, #tpu.memory_space<vmem>>, vector<1x102x256xf32>
    %swap3A_223 = vector.shape_cast %swap3A_222 : vector<1x102x256xf32> to vector<102x256xf32>
    %swap3A_224 = vector.shape_cast %slice3A_218 : vector<102x256xf32> to vector<1x102x256xf32>
    tpu.vector_store %arg7[%swap3A_219, %swap3A_220, %swap3A_221], %swap3A_224 {strides = array<i32>} : memref<128x102x256xf32, #tpu.memory_space<vmem>>, vector<1x102x256xf32>,
    %slice3A_225 = vector.extract_strided_slice %add3A_43 {offsets = [2704, 0], sizes = [102, 256], strides = [1, 1]} : vector<13312x256xf32> to vector<102x256xf32>
    %swap3A_226 = arith.constant 26 : index
    %swap3A_227 = arith.constant 0 : index
    %swap3A_228 = arith.constant 0 : index
    %swap3A_229 = vector.load %arg7[%swap3A_226, %swap3A_227, %swap3A_228] : memref<128x102x256xf32, #tpu.memory_space<vmem>>, vector<1x102x256xf32>
    %swap3A_230 = vector.shape_cast %swap3A_229 : vector<1x102x256xf32> to vector<102x256xf32>
    %swap3A_231 = vector.shape_cast %slice3A_225 : vector<102x256xf32> to vector<1x102x256xf32>
    tpu.vector_store %arg7[%swap3A_226, %swap3A_227, %swap3A_228], %swap3A_231 {strides = array<i32>} : memref<128x102x256xf32, #tpu.memory_space<vmem>>, vector<1x102x256xf32>,
    %slice3A_232 = vector.extract_strided_slice %add3A_43 {offsets = [2808, 0], sizes = [102, 256], strides = [1, 1]} : vector<13312x256xf32> to vector<102x256xf32>
    %swap3A_233 = arith.constant 27 : index
    %swap3A_234 = arith.constant 0 : index
    %swap3A_235 = arith.constant 0 : index
    %swap3A_236 = vector.load %arg7[%swap3A_233, %swap3A_234, %swap3A_235] : memref<128x102x256xf32, #tpu.memory_space<vmem>>, vector<1x102x256xf32>
    %swap3A_237 = vector.shape_cast %swap3A_236 : vector<1x102x256xf32> to vector<102x256xf32>
    %swap3A_238 = vector.shape_cast %slice3A_232 : vector<102x256xf32> to vector<1x102x256xf32>
    tpu.vector_store %arg7[%swap3A_233, %swap3A_234, %swap3A_235], %swap3A_238 {strides = array<i32>} : memref<128x102x256xf32, #tpu.memory_space<vmem>>, vector<1x102x256xf32>,
    %slice3A_239 = vector.extract_strided_slice %add3A_43 {offsets = [2912, 0], sizes = [102, 256], strides = [1, 1]} : vector<13312x256xf32> to vector<102x256xf32>
    %swap3A_240 = arith.constant 28 : index
    %swap3A_241 = arith.constant 0 : index
    %swap3A_242 = arith.constant 0 : index
    %swap3A_243 = vector.load %arg7[%swap3A_240, %swap3A_241, %swap3A_242] : memref<128x102x256xf32, #tpu.memory_space<vmem>>, vector<1x102x256xf32>
    %swap3A_244 = vector.shape_cast %swap3A_243 : vector<1x102x256xf32> to vector<102x256xf32>
    %swap3A_245 = vector.shape_cast %slice3A_239 : vector<102x256xf32> to vector<1x102x256xf32>
    tpu.vector_store %arg7[%swap3A_240, %swap3A_241, %swap3A_242], %swap3A_245 {strides = array<i32>} : memref<128x102x256xf32, #tpu.memory_space<vmem>>, vector<1x102x256xf32>,
    %slice3A_246 = vector.extract_strided_slice %add3A_43 {offsets = [3016, 0], sizes = [102, 256], strides = [1, 1]} : vector<13312x256xf32> to vector<102x256xf32>
    %swap3A_247 = arith.constant 29 : index
    %swap3A_248 = arith.constant 0 : index
    %swap3A_249 = arith.constant 0 : index
    %swap3A_250 = vector.load %arg7[%swap3A_247, %swap3A_248, %swap3A_249] : memref<128x102x256xf32, #tpu.memory_space<vmem>>, vector<1x102x256xf32>
    %swap3A_251 = vector.shape_cast %swap3A_250 : vector<1x102x256xf32> to vector<102x256xf32>
    %swap3A_252 = vector.shape_cast %slice3A_246 : vector<102x256xf32> to vector<1x102x256xf32>
    tpu.vector_store %arg7[%swap3A_247, %swap3A_248, %swap3A_249], %swap3A_252 {strides = array<i32>} : memref<128x102x256xf32, #tpu.memory_space<vmem>>, vector<1x102x256xf32>,
    %slice3A_253 = vector.extract_strided_slice %add3A_43 {offsets = [3120, 0], sizes = [102, 256], strides = [1, 1]} : vector<13312x256xf32> to vector<102x256xf32>
    %swap3A_254 = arith.constant 30 : index
    %swap3A_255 = arith.constant 0 : index
    %swap3A_256 = arith.constant 0 : index
    %swap3A_257 = vector.load %arg7[%swap3A_254, %swap3A_255, %swap3A_256] : memref<128x102x256xf32, #tpu.memory_space<vmem>>, vector<1x102x256xf32>
    %swap3A_258 = vector.shape_cast %swap3A_257 : vector<1x102x256xf32> to vector<102x256xf32>
    %swap3A_259 = vector.shape_cast %slice3A_253 : vector<102x256xf32> to vector<1x102x256xf32>
    tpu.vector_store %arg7[%swap3A_254, %swap3A_255, %swap3A_256], %swap3A_259 {strides = array<i32>} : memref<128x102x256xf32, #tpu.memory_space<vmem>>, vector<1x102x256xf32>,
    %slice3A_260 = vector.extract_strided_slice %add3A_43 {offsets = [3224, 0], sizes = [102, 256], strides = [1, 1]} : vector<13312x256xf32> to vector<102x256xf32>
    %swap3A_261 = arith.constant 31 : index
    %swap3A_262 = arith.constant 0 : index
    %swap3A_263 = arith.constant 0 : index
    %swap3A_264 = vector.load %arg7[%swap3A_261, %swap3A_262, %swap3A_263] : memref<128x102x256xf32, #tpu.memory_space<vmem>>, vector<1x102x256xf32>
    %swap3A_265 = vector.shape_cast %swap3A_264 : vector<1x102x256xf32> to vector<102x256xf32>
    %swap3A_266 = vector.shape_cast %slice3A_260 : vector<102x256xf32> to vector<1x102x256xf32>
    tpu.vector_store %arg7[%swap3A_261, %swap3A_262, %swap3A_263], %swap3A_266 {strides = array<i32>} : memref<128x102x256xf32, #tpu.memory_space<vmem>>, vector<1x102x256xf32>,
    %slice3A_267 = vector.extract_strided_slice %add3A_43 {offsets = [3328, 0], sizes = [102, 256], strides = [1, 1]} : vector<13312x256xf32> to vector<102x256xf32>
    %swap3A_268 = arith.constant 32 : index
    %swap3A_269 = arith.constant 0 : index
    %swap3A_270 = arith.constant 0 : index
    %swap3A_271 = vector.load %arg7[%swap3A_268, %swap3A_269, %swap3A_270] : memref<128x102x256xf32, #tpu.memory_space<vmem>>, vector<1x102x256xf32>
    %swap3A_272 = vector.shape_cast %swap3A_271 : vector<1x102x256xf32> to vector<102x256xf32>
    %swap3A_273 = vector.shape_cast %slice3A_267 : vector<102x256xf32> to vector<1x102x256xf32>
    tpu.vector_store %arg7[%swap3A_268, %swap3A_269, %swap3A_270], %swap3A_273 {strides = array<i32>} : memref<128x102x256xf32, #tpu.memory_space<vmem>>, vector<1x102x256xf32>,
    %slice3A_274 = vector.extract_strided_slice %add3A_43 {offsets = [3432, 0], sizes = [102, 256], strides = [1, 1]} : vector<13312x256xf32> to vector<102x256xf32>
    %swap3A_275 = arith.constant 33 : index
    %swap3A_276 = arith.constant 0 : index
    %swap3A_277 = arith.constant 0 : index
    %swap3A_278 = vector.load %arg7[%swap3A_275, %swap3A_276, %swap3A_277] : memref<128x102x256xf32, #tpu.memory_space<vmem>>, vector<1x102x256xf32>
    %swap3A_279 = vector.shape_cast %swap3A_278 : vector<1x102x256xf32> to vector<102x256xf32>
    %swap3A_280 = vector.shape_cast %slice3A_274 : vector<102x256xf32> to vector<1x102x256xf32>
    tpu.vector_store %arg7[%swap3A_275, %swap3A_276, %swap3A_277], %swap3A_280 {strides = array<i32>} : memref<128x102x256xf32, #tpu.memory_space<vmem>>, vector<1x102x256xf32>,
    %slice3A_281 = vector.extract_strided_slice %add3A_43 {offsets = [3536, 0], sizes = [102, 256], strides = [1, 1]} : vector<13312x256xf32> to vector<102x256xf32>
    %swap3A_282 = arith.constant 34 : index
    %swap3A_283 = arith.constant 0 : index
    %swap3A_284 = arith.constant 0 : index
    %swap3A_285 = vector.load %arg7[%swap3A_282, %swap3A_283, %swap3A_284] : memref<128x102x256xf32, #tpu.memory_space<vmem>>, vector<1x102x256xf32>
    %swap3A_286 = vector.shape_cast %swap3A_285 : vector<1x102x256xf32> to vector<102x256xf32>
    %swap3A_287 = vector.shape_cast %slice3A_281 : vector<102x256xf32> to vector<1x102x256xf32>
    tpu.vector_store %arg7[%swap3A_282, %swap3A_283, %swap3A_284], %swap3A_287 {strides = array<i32>} : memref<128x102x256xf32, #tpu.memory_space<vmem>>, vector<1x102x256xf32>,
    %slice3A_288 = vector.extract_strided_slice %add3A_43 {offsets = [3640, 0], sizes = [102, 256], strides = [1, 1]} : vector<13312x256xf32> to vector<102x256xf32>
    %swap3A_289 = arith.constant 35 : index
    %swap3A_290 = arith.constant 0 : index
    %swap3A_291 = arith.constant 0 : index
    %swap3A_292 = vector.load %arg7[%swap3A_289, %swap3A_290, %swap3A_291] : memref<128x102x256xf32, #tpu.memory_space<vmem>>, vector<1x102x256xf32>
    %swap3A_293 = vector.shape_cast %swap3A_292 : vector<1x102x256xf32> to vector<102x256xf32>
    %swap3A_294 = vector.shape_cast %slice3A_288 : vector<102x256xf32> to vector<1x102x256xf32>
    tpu.vector_store %arg7[%swap3A_289, %swap3A_290, %swap3A_291], %swap3A_294 {strides = array<i32>} : memref<128x102x256xf32, #tpu.memory_space<vmem>>, vector<1x102x256xf32>,
    %slice3A_295 = vector.extract_strided_slice %add3A_43 {offsets = [3744, 0], sizes = [102, 256], strides = [1, 1]} : vector<13312x256xf32> to vector<102x256xf32>
    %swap3A_296 = arith.constant 36 : index
    %swap3A_297 = arith.constant 0 : index
    %swap3A_298 = arith.constant 0 : index
    %swap3A_299 = vector.load %arg7[%swap3A_296, %swap3A_297, %swap3A_298] : memref<128x102x256xf32, #tpu.memory_space<vmem>>, vector<1x102x256xf32>
    %swap3A_300 = vector.shape_cast %swap3A_299 : vector<1x102x256xf32> to vector<102x256xf32>
    %swap3A_301 = vector.shape_cast %slice3A_295 : vector<102x256xf32> to vector<1x102x256xf32>
    tpu.vector_store %arg7[%swap3A_296, %swap3A_297, %swap3A_298], %swap3A_301 {strides = array<i32>} : memref<128x102x256xf32, #tpu.memory_space<vmem>>, vector<1x102x256xf32>,
    %slice3A_302 = vector.extract_strided_slice %add3A_43 {offsets = [3848, 0], sizes = [102, 256], strides = [1, 1]} : vector<13312x256xf32> to vector<102x256xf32>
    %swap3A_303 = arith.constant 37 : index
    %swap3A_304 = arith.constant 0 : index
    %swap3A_305 = arith.constant 0 : index
    %swap3A_306 = vector.load %arg7[%swap3A_303, %swap3A_304, %swap3A_305] : memref<128x102x256xf32, #tpu.memory_space<vmem>>, vector<1x102x256xf32>
    %swap3A_307 = vector.shape_cast %swap3A_306 : vector<1x102x256xf32> to vector<102x256xf32>
    %swap3A_308 = vector.shape_cast %slice3A_302 : vector<102x256xf32> to vector<1x102x256xf32>
    tpu.vector_store %arg7[%swap3A_303, %swap3A_304, %swap3A_305], %swap3A_308 {strides = array<i32>} : memref<128x102x256xf32, #tpu.memory_space<vmem>>, vector<1x102x256xf32>,
    %slice3A_309 = vector.extract_strided_slice %add3A_43 {offsets = [3952, 0], sizes = [102, 256], strides = [1, 1]} : vector<13312x256xf32> to vector<102x256xf32>
    %swap3A_310 = arith.constant 38 : index
    %swap3A_311 = arith.constant 0 : index
    %swap3A_312 = arith.constant 0 : index
    %swap3A_313 = vector.load %arg7[%swap3A_310, %swap3A_311, %swap3A_312] : memref<128x102x256xf32, #tpu.memory_space<vmem>>, vector<1x102x256xf32>
    %swap3A_314 = vector.shape_cast %swap3A_313 : vector<1x102x256xf32> to vector<102x256xf32>
    %swap3A_315 = vector.shape_cast %slice3A_309 : vector<102x256xf32> to vector<1x102x256xf32>
    tpu.vector_store %arg7[%swap3A_310, %swap3A_311, %swap3A_312], %swap3A_315 {strides = array<i32>} : memref<128x102x256xf32, #tpu.memory_space<vmem>>, vector<1x102x256xf32>,
    %slice3A_316 = vector.extract_strided_slice %add3A_43 {offsets = [4056, 0], sizes = [102, 256], strides = [1, 1]} : vector<13312x256xf32> to vector<102x256xf32>
    %swap3A_317 = arith.constant 39 : index
    %swap3A_318 = arith.constant 0 : index
    %swap3A_319 = arith.constant 0 : index
    %swap3A_320 = vector.load %arg7[%swap3A_317, %swap3A_318, %swap3A_319] : memref<128x102x256xf32, #tpu.memory_space<vmem>>, vector<1x102x256xf32>
    %swap3A_321 = vector.shape_cast %swap3A_320 : vector<1x102x256xf32> to vector<102x256xf32>
    %swap3A_322 = vector.shape_cast %slice3A_316 : vector<102x256xf32> to vector<1x102x256xf32>
    tpu.vector_store %arg7[%swap3A_317, %swap3A_318, %swap3A_319], %swap3A_322 {strides = array<i32>} : memref<128x102x256xf32, #tpu.memory_space<vmem>>, vector<1x102x256xf32>,
    %slice3A_323 = vector.extract_strided_slice %add3A_43 {offsets = [4160, 0], sizes = [102, 256], strides = [1, 1]} : vector<13312x256xf32> to vector<102x256xf32>
    %swap3A_324 = arith.constant 40 : index
    %swap3A_325 = arith.constant 0 : index
    %swap3A_326 = arith.constant 0 : index
    %swap3A_327 = vector.load %arg7[%swap3A_324, %swap3A_325, %swap3A_326] : memref<128x102x256xf32, #tpu.memory_space<vmem>>, vector<1x102x256xf32>
    %swap3A_328 = vector.shape_cast %swap3A_327 : vector<1x102x256xf32> to vector<102x256xf32>
    %swap3A_329 = vector.shape_cast %slice3A_323 : vector<102x256xf32> to vector<1x102x256xf32>
    tpu.vector_store %arg7[%swap3A_324, %swap3A_325, %swap3A_326], %swap3A_329 {strides = array<i32>} : memref<128x102x256xf32, #tpu.memory_space<vmem>>, vector<1x102x256xf32>,
    %slice3A_330 = vector.extract_strided_slice %add3A_43 {offsets = [4264, 0], sizes = [102, 256], strides = [1, 1]} : vector<13312x256xf32> to vector<102x256xf32>
    %swap3A_331 = arith.constant 41 : index
    %swap3A_332 = arith.constant 0 : index
    %swap3A_333 = arith.constant 0 : index
    %swap3A_334 = vector.load %arg7[%swap3A_331, %swap3A_332, %swap3A_333] : memref<128x102x256xf32, #tpu.memory_space<vmem>>, vector<1x102x256xf32>
    %swap3A_335 = vector.shape_cast %swap3A_334 : vector<1x102x256xf32> to vector<102x256xf32>
    %swap3A_336 = vector.shape_cast %slice3A_330 : vector<102x256xf32> to vector<1x102x256xf32>
    tpu.vector_store %arg7[%swap3A_331, %swap3A_332, %swap3A_333], %swap3A_336 {strides = array<i32>} : memref<128x102x256xf32, #tpu.memory_space<vmem>>, vector<1x102x256xf32>,
    %slice3A_337 = vector.extract_strided_slice %add3A_43 {offsets = [4368, 0], sizes = [102, 256], strides = [1, 1]} : vector<13312x256xf32> to vector<102x256xf32>
    %swap3A_338 = arith.constant 42 : index
    %swap3A_339 = arith.constant 0 : index
    %swap3A_340 = arith.constant 0 : index
    %swap3A_341 = vector.load %arg7[%swap3A_338, %swap3A_339, %swap3A_340] : memref<128x102x256xf32, #tpu.memory_space<vmem>>, vector<1x102x256xf32>
    %swap3A_342 = vector.shape_cast %swap3A_341 : vector<1x102x256xf32> to vector<102x256xf32>
    %swap3A_343 = vector.shape_cast %slice3A_337 : vector<102x256xf32> to vector<1x102x256xf32>
    tpu.vector_store %arg7[%swap3A_338, %swap3A_339, %swap3A_340], %swap3A_343 {strides = array<i32>} : memref<128x102x256xf32, #tpu.memory_space<vmem>>, vector<1x102x256xf32>,
    %slice3A_344 = vector.extract_strided_slice %add3A_43 {offsets = [4472, 0], sizes = [102, 256], strides = [1, 1]} : vector<13312x256xf32> to vector<102x256xf32>
    %swap3A_345 = arith.constant 43 : index
    %swap3A_346 = arith.constant 0 : index
    %swap3A_347 = arith.constant 0 : index
    %swap3A_348 = vector.load %arg7[%swap3A_345, %swap3A_346, %swap3A_347] : memref<128x102x256xf32, #tpu.memory_space<vmem>>, vector<1x102x256xf32>
    %swap3A_349 = vector.shape_cast %swap3A_348 : vector<1x102x256xf32> to vector<102x256xf32>
    %swap3A_350 = vector.shape_cast %slice3A_344 : vector<102x256xf32> to vector<1x102x256xf32>
    tpu.vector_store %arg7[%swap3A_345, %swap3A_346, %swap3A_347], %swap3A_350 {strides = array<i32>} : memref<128x102x256xf32, #tpu.memory_space<vmem>>, vector<1x102x256xf32>,
    %slice3A_351 = vector.extract_strided_slice %add3A_43 {offsets = [4576, 0], sizes = [102, 256], strides = [1, 1]} : vector<13312x256xf32> to vector<102x256xf32>
    %swap3A_352 = arith.constant 44 : index
    %swap3A_353 = arith.constant 0 : index
    %swap3A_354 = arith.constant 0 : index
    %swap3A_355 = vector.load %arg7[%swap3A_352, %swap3A_353, %swap3A_354] : memref<128x102x256xf32, #tpu.memory_space<vmem>>, vector<1x102x256xf32>
    %swap3A_356 = vector.shape_cast %swap3A_355 : vector<1x102x256xf32> to vector<102x256xf32>
    %swap3A_357 = vector.shape_cast %slice3A_351 : vector<102x256xf32> to vector<1x102x256xf32>
    tpu.vector_store %arg7[%swap3A_352, %swap3A_353, %swap3A_354], %swap3A_357 {strides = array<i32>} : memref<128x102x256xf32, #tpu.memory_space<vmem>>, vector<1x102x256xf32>,
    %slice3A_358 = vector.extract_strided_slice %add3A_43 {offsets = [4680, 0], sizes = [102, 256], strides = [1, 1]} : vector<13312x256xf32> to vector<102x256xf32>
    %swap3A_359 = arith.constant 45 : index
    %swap3A_360 = arith.constant 0 : index
    %swap3A_361 = arith.constant 0 : index
    %swap3A_362 = vector.load %arg7[%swap3A_359, %swap3A_360, %swap3A_361] : memref<128x102x256xf32, #tpu.memory_space<vmem>>, vector<1x102x256xf32>
    %swap3A_363 = vector.shape_cast %swap3A_362 : vector<1x102x256xf32> to vector<102x256xf32>
    %swap3A_364 = vector.shape_cast %slice3A_358 : vector<102x256xf32> to vector<1x102x256xf32>
    tpu.vector_store %arg7[%swap3A_359, %swap3A_360, %swap3A_361], %swap3A_364 {strides = array<i32>} : memref<128x102x256xf32, #tpu.memory_space<vmem>>, vector<1x102x256xf32>,
    %slice3A_365 = vector.extract_strided_slice %add3A_43 {offsets = [4784, 0], sizes = [102, 256], strides = [1, 1]} : vector<13312x256xf32> to vector<102x256xf32>
    %swap3A_366 = arith.constant 46 : index
    %swap3A_367 = arith.constant 0 : index
    %swap3A_368 = arith.constant 0 : index
    %swap3A_369 = vector.load %arg7[%swap3A_366, %swap3A_367, %swap3A_368] : memref<128x102x256xf32, #tpu.memory_space<vmem>>, vector<1x102x256xf32>
    %swap3A_370 = vector.shape_cast %swap3A_369 : vector<1x102x256xf32> to vector<102x256xf32>
    %swap3A_371 = vector.shape_cast %slice3A_365 : vector<102x256xf32> to vector<1x102x256xf32>
    tpu.vector_store %arg7[%swap3A_366, %swap3A_367, %swap3A_368], %swap3A_371 {strides = array<i32>} : memref<128x102x256xf32, #tpu.memory_space<vmem>>, vector<1x102x256xf32>,
    %slice3A_372 = vector.extract_strided_slice %add3A_43 {offsets = [4888, 0], sizes = [102, 256], strides = [1, 1]} : vector<13312x256xf32> to vector<102x256xf32>
    %swap3A_373 = arith.constant 47 : index
    %swap3A_374 = arith.constant 0 : index
    %swap3A_375 = arith.constant 0 : index
    %swap3A_376 = vector.load %arg7[%swap3A_373, %swap3A_374, %swap3A_375] : memref<128x102x256xf32, #tpu.memory_space<vmem>>, vector<1x102x256xf32>
    %swap3A_377 = vector.shape_cast %swap3A_376 : vector<1x102x256xf32> to vector<102x256xf32>
    %swap3A_378 = vector.shape_cast %slice3A_372 : vector<102x256xf32> to vector<1x102x256xf32>
    tpu.vector_store %arg7[%swap3A_373, %swap3A_374, %swap3A_375], %swap3A_378 {strides = array<i32>} : memref<128x102x256xf32, #tpu.memory_space<vmem>>, vector<1x102x256xf32>,
    %slice3A_379 = vector.extract_strided_slice %add3A_43 {offsets = [4992, 0], sizes = [102, 256], strides = [1, 1]} : vector<13312x256xf32> to vector<102x256xf32>
    %swap3A_380 = arith.constant 48 : index
    %swap3A_381 = arith.constant 0 : index
    %swap3A_382 = arith.constant 0 : index
    %swap3A_383 = vector.load %arg7[%swap3A_380, %swap3A_381, %swap3A_382] : memref<128x102x256xf32, #tpu.memory_space<vmem>>, vector<1x102x256xf32>
    %swap3A_384 = vector.shape_cast %swap3A_383 : vector<1x102x256xf32> to vector<102x256xf32>
    %swap3A_385 = vector.shape_cast %slice3A_379 : vector<102x256xf32> to vector<1x102x256xf32>
    tpu.vector_store %arg7[%swap3A_380, %swap3A_381, %swap3A_382], %swap3A_385 {strides = array<i32>} : memref<128x102x256xf32, #tpu.memory_space<vmem>>, vector<1x102x256xf32>,
    %slice3A_386 = vector.extract_strided_slice %add3A_43 {offsets = [5096, 0], sizes = [102, 256], strides = [1, 1]} : vector<13312x256xf32> to vector<102x256xf32>
    %swap3A_387 = arith.constant 49 : index
    %swap3A_388 = arith.constant 0 : index
    %swap3A_389 = arith.constant 0 : index
    %swap3A_390 = vector.load %arg7[%swap3A_387, %swap3A_388, %swap3A_389] : memref<128x102x256xf32, #tpu.memory_space<vmem>>, vector<1x102x256xf32>
    %swap3A_391 = vector.shape_cast %swap3A_390 : vector<1x102x256xf32> to vector<102x256xf32>
    %swap3A_392 = vector.shape_cast %slice3A_386 : vector<102x256xf32> to vector<1x102x256xf32>
    tpu.vector_store %arg7[%swap3A_387, %swap3A_388, %swap3A_389], %swap3A_392 {strides = array<i32>} : memref<128x102x256xf32, #tpu.memory_space<vmem>>, vector<1x102x256xf32>,
    %slice3A_393 = vector.extract_strided_slice %add3A_43 {offsets = [5200, 0], sizes = [102, 256], strides = [1, 1]} : vector<13312x256xf32> to vector<102x256xf32>
    %swap3A_394 = arith.constant 50 : index
    %swap3A_395 = arith.constant 0 : index
    %swap3A_396 = arith.constant 0 : index
    %swap3A_397 = vector.load %arg7[%swap3A_394, %swap3A_395, %swap3A_396] : memref<128x102x256xf32, #tpu.memory_space<vmem>>, vector<1x102x256xf32>
    %swap3A_398 = vector.shape_cast %swap3A_397 : vector<1x102x256xf32> to vector<102x256xf32>
    %swap3A_399 = vector.shape_cast %slice3A_393 : vector<102x256xf32> to vector<1x102x256xf32>
    tpu.vector_store %arg7[%swap3A_394, %swap3A_395, %swap3A_396], %swap3A_399 {strides = array<i32>} : memref<128x102x256xf32, #tpu.memory_space<vmem>>, vector<1x102x256xf32>,
    %slice3A_400 = vector.extract_strided_slice %add3A_43 {offsets = [5304, 0], sizes = [102, 256], strides = [1, 1]} : vector<13312x256xf32> to vector<102x256xf32>
    %swap3A_401 = arith.constant 51 : index
    %swap3A_402 = arith.constant 0 : index
    %swap3A_403 = arith.constant 0 : index
    %swap3A_404 = vector.load %arg7[%swap3A_401, %swap3A_402, %swap3A_403] : memref<128x102x256xf32, #tpu.memory_space<vmem>>, vector<1x102x256xf32>
    %swap3A_405 = vector.shape_cast %swap3A_404 : vector<1x102x256xf32> to vector<102x256xf32>
    %swap3A_406 = vector.shape_cast %slice3A_400 : vector<102x256xf32> to vector<1x102x256xf32>
    tpu.vector_store %arg7[%swap3A_401, %swap3A_402, %swap3A_403], %swap3A_406 {strides = array<i32>} : memref<128x102x256xf32, #tpu.memory_space<vmem>>, vector<1x102x256xf32>,
    %slice3A_407 = vector.extract_strided_slice %add3A_43 {offsets = [5408, 0], sizes = [102, 256], strides = [1, 1]} : vector<13312x256xf32> to vector<102x256xf32>
    %swap3A_408 = arith.constant 52 : index
    %swap3A_409 = arith.constant 0 : index
    %swap3A_410 = arith.constant 0 : index
    %swap3A_411 = vector.load %arg7[%swap3A_408, %swap3A_409, %swap3A_410] : memref<128x102x256xf32, #tpu.memory_space<vmem>>, vector<1x102x256xf32>
    %swap3A_412 = vector.shape_cast %swap3A_411 : vector<1x102x256xf32> to vector<102x256xf32>
    %swap3A_413 = vector.shape_cast %slice3A_407 : vector<102x256xf32> to vector<1x102x256xf32>
    tpu.vector_store %arg7[%swap3A_408, %swap3A_409, %swap3A_410], %swap3A_413 {strides = array<i32>} : memref<128x102x256xf32, #tpu.memory_space<vmem>>, vector<1x102x256xf32>,
    %slice3A_414 = vector.extract_strided_slice %add3A_43 {offsets = [5512, 0], sizes = [102, 256], strides = [1, 1]} : vector<13312x256xf32> to vector<102x256xf32>
    %swap3A_415 = arith.constant 53 : index
    %swap3A_416 = arith.constant 0 : index
    %swap3A_417 = arith.constant 0 : index
    %swap3A_418 = vector.load %arg7[%swap3A_415, %swap3A_416, %swap3A_417] : memref<128x102x256xf32, #tpu.memory_space<vmem>>, vector<1x102x256xf32>
    %swap3A_419 = vector.shape_cast %swap3A_418 : vector<1x102x256xf32> to vector<102x256xf32>
    %swap3A_420 = vector.shape_cast %slice3A_414 : vector<102x256xf32> to vector<1x102x256xf32>
    tpu.vector_store %arg7[%swap3A_415, %swap3A_416, %swap3A_417], %swap3A_420 {strides = array<i32>} : memref<128x102x256xf32, #tpu.memory_space<vmem>>, vector<1x102x256xf32>,
    %slice3A_421 = vector.extract_strided_slice %add3A_43 {offsets = [5616, 0], sizes = [102, 256], strides = [1, 1]} : vector<13312x256xf32> to vector<102x256xf32>
    %swap3A_422 = arith.constant 54 : index
    %swap3A_423 = arith.constant 0 : index
    %swap3A_424 = arith.constant 0 : index
    %swap3A_425 = vector.load %arg7[%swap3A_422, %swap3A_423, %swap3A_424] : memref<128x102x256xf32, #tpu.memory_space<vmem>>, vector<1x102x256xf32>
    %swap3A_426 = vector.shape_cast %swap3A_425 : vector<1x102x256xf32> to vector<102x256xf32>
    %swap3A_427 = vector.shape_cast %slice3A_421 : vector<102x256xf32> to vector<1x102x256xf32>
    tpu.vector_store %arg7[%swap3A_422, %swap3A_423, %swap3A_424], %swap3A_427 {strides = array<i32>} : memref<128x102x256xf32, #tpu.memory_space<vmem>>, vector<1x102x256xf32>,
    %slice3A_428 = vector.extract_strided_slice %add3A_43 {offsets = [5720, 0], sizes = [102, 256], strides = [1, 1]} : vector<13312x256xf32> to vector<102x256xf32>
    %swap3A_429 = arith.constant 55 : index
    %swap3A_430 = arith.constant 0 : index
    %swap3A_431 = arith.constant 0 : index
    %swap3A_432 = vector.load %arg7[%swap3A_429, %swap3A_430, %swap3A_431] : memref<128x102x256xf32, #tpu.memory_space<vmem>>, vector<1x102x256xf32>
    %swap3A_433 = vector.shape_cast %swap3A_432 : vector<1x102x256xf32> to vector<102x256xf32>
    %swap3A_434 = vector.shape_cast %slice3A_428 : vector<102x256xf32> to vector<1x102x256xf32>
    tpu.vector_store %arg7[%swap3A_429, %swap3A_430, %swap3A_431], %swap3A_434 {strides = array<i32>} : memref<128x102x256xf32, #tpu.memory_space<vmem>>, vector<1x102x256xf32>,
    %slice3A_435 = vector.extract_strided_slice %add3A_43 {offsets = [5824, 0], sizes = [102, 256], strides = [1, 1]} : vector<13312x256xf32> to vector<102x256xf32>
    %swap3A_436 = arith.constant 56 : index
    %swap3A_437 = arith.constant 0 : index
    %swap3A_438 = arith.constant 0 : index
    %swap3A_439 = vector.load %arg7[%swap3A_436, %swap3A_437, %swap3A_438] : memref<128x102x256xf32, #tpu.memory_space<vmem>>, vector<1x102x256xf32>
    %swap3A_440 = vector.shape_cast %swap3A_439 : vector<1x102x256xf32> to vector<102x256xf32>
    %swap3A_441 = vector.shape_cast %slice3A_435 : vector<102x256xf32> to vector<1x102x256xf32>
    tpu.vector_store %arg7[%swap3A_436, %swap3A_437, %swap3A_438], %swap3A_441 {strides = array<i32>} : memref<128x102x256xf32, #tpu.memory_space<vmem>>, vector<1x102x256xf32>,
    %slice3A_442 = vector.extract_strided_slice %add3A_43 {offsets = [5928, 0], sizes = [102, 256], strides = [1, 1]} : vector<13312x256xf32> to vector<102x256xf32>
    %swap3A_443 = arith.constant 57 : index
    %swap3A_444 = arith.constant 0 : index
    %swap3A_445 = arith.constant 0 : index
    %swap3A_446 = vector.load %arg7[%swap3A_443, %swap3A_444, %swap3A_445] : memref<128x102x256xf32, #tpu.memory_space<vmem>>, vector<1x102x256xf32>
    %swap3A_447 = vector.shape_cast %swap3A_446 : vector<1x102x256xf32> to vector<102x256xf32>
    %swap3A_448 = vector.shape_cast %slice3A_442 : vector<102x256xf32> to vector<1x102x256xf32>
    tpu.vector_store %arg7[%swap3A_443, %swap3A_444, %swap3A_445], %swap3A_448 {strides = array<i32>} : memref<128x102x256xf32, #tpu.memory_space<vmem>>, vector<1x102x256xf32>,
    %slice3A_449 = vector.extract_strided_slice %add3A_43 {offsets = [6032, 0], sizes = [102, 256], strides = [1, 1]} : vector<13312x256xf32> to vector<102x256xf32>
    %swap3A_450 = arith.constant 58 : index
    %swap3A_451 = arith.constant 0 : index
    %swap3A_452 = arith.constant 0 : index
    %swap3A_453 = vector.load %arg7[%swap3A_450, %swap3A_451, %swap3A_452] : memref<128x102x256xf32, #tpu.memory_space<vmem>>, vector<1x102x256xf32>
    %swap3A_454 = vector.shape_cast %swap3A_453 : vector<1x102x256xf32> to vector<102x256xf32>
    %swap3A_455 = vector.shape_cast %slice3A_449 : vector<102x256xf32> to vector<1x102x256xf32>
    tpu.vector_store %arg7[%swap3A_450, %swap3A_451, %swap3A_452], %swap3A_455 {strides = array<i32>} : memref<128x102x256xf32, #tpu.memory_space<vmem>>, vector<1x102x256xf32>,
    %slice3A_456 = vector.extract_strided_slice %add3A_43 {offsets = [6136, 0], sizes = [102, 256], strides = [1, 1]} : vector<13312x256xf32> to vector<102x256xf32>
    %swap3A_457 = arith.constant 59 : index
    %swap3A_458 = arith.constant 0 : index
    %swap3A_459 = arith.constant 0 : index
    %swap3A_460 = vector.load %arg7[%swap3A_457, %swap3A_458, %swap3A_459] : memref<128x102x256xf32, #tpu.memory_space<vmem>>, vector<1x102x256xf32>
    %swap3A_461 = vector.shape_cast %swap3A_460 : vector<1x102x256xf32> to vector<102x256xf32>
    %swap3A_462 = vector.shape_cast %slice3A_456 : vector<102x256xf32> to vector<1x102x256xf32>
    tpu.vector_store %arg7[%swap3A_457, %swap3A_458, %swap3A_459], %swap3A_462 {strides = array<i32>} : memref<128x102x256xf32, #tpu.memory_space<vmem>>, vector<1x102x256xf32>,
    %slice3A_463 = vector.extract_strided_slice %add3A_43 {offsets = [6240, 0], sizes = [102, 256], strides = [1, 1]} : vector<13312x256xf32> to vector<102x256xf32>
    %swap3A_464 = arith.constant 60 : index
    %swap3A_465 = arith.constant 0 : index
    %swap3A_466 = arith.constant 0 : index
    %swap3A_467 = vector.load %arg7[%swap3A_464, %swap3A_465, %swap3A_466] : memref<128x102x256xf32, #tpu.memory_space<vmem>>, vector<1x102x256xf32>
    %swap3A_468 = vector.shape_cast %swap3A_467 : vector<1x102x256xf32> to vector<102x256xf32>
    %swap3A_469 = vector.shape_cast %slice3A_463 : vector<102x256xf32> to vector<1x102x256xf32>
    tpu.vector_store %arg7[%swap3A_464, %swap3A_465, %swap3A_466], %swap3A_469 {strides = array<i32>} : memref<128x102x256xf32, #tpu.memory_space<vmem>>, vector<1x102x256xf32>,
    %slice3A_470 = vector.extract_strided_slice %add3A_43 {offsets = [6344, 0], sizes = [102, 256], strides = [1, 1]} : vector<13312x256xf32> to vector<102x256xf32>
    %swap3A_471 = arith.constant 61 : index
    %swap3A_472 = arith.constant 0 : index
    %swap3A_473 = arith.constant 0 : index
    %swap3A_474 = vector.load %arg7[%swap3A_471, %swap3A_472, %swap3A_473] : memref<128x102x256xf32, #tpu.memory_space<vmem>>, vector<1x102x256xf32>
    %swap3A_475 = vector.shape_cast %swap3A_474 : vector<1x102x256xf32> to vector<102x256xf32>
    %swap3A_476 = vector.shape_cast %slice3A_470 : vector<102x256xf32> to vector<1x102x256xf32>
    tpu.vector_store %arg7[%swap3A_471, %swap3A_472, %swap3A_473], %swap3A_476 {strides = array<i32>} : memref<128x102x256xf32, #tpu.memory_space<vmem>>, vector<1x102x256xf32>,
    %slice3A_477 = vector.extract_strided_slice %add3A_43 {offsets = [6448, 0], sizes = [102, 256], strides = [1, 1]} : vector<13312x256xf32> to vector<102x256xf32>
    %swap3A_478 = arith.constant 62 : index
    %swap3A_479 = arith.constant 0 : index
    %swap3A_480 = arith.constant 0 : index
    %swap3A_481 = vector.load %arg7[%swap3A_478, %swap3A_479, %swap3A_480] : memref<128x102x256xf32, #tpu.memory_space<vmem>>, vector<1x102x256xf32>
    %swap3A_482 = vector.shape_cast %swap3A_481 : vector<1x102x256xf32> to vector<102x256xf32>
    %swap3A_483 = vector.shape_cast %slice3A_477 : vector<102x256xf32> to vector<1x102x256xf32>
    tpu.vector_store %arg7[%swap3A_478, %swap3A_479, %swap3A_480], %swap3A_483 {strides = array<i32>} : memref<128x102x256xf32, #tpu.memory_space<vmem>>, vector<1x102x256xf32>,
    %slice3A_484 = vector.extract_strided_slice %add3A_43 {offsets = [6552, 0], sizes = [102, 256], strides = [1, 1]} : vector<13312x256xf32> to vector<102x256xf32>
    %swap3A_485 = arith.constant 63 : index
    %swap3A_486 = arith.constant 0 : index
    %swap3A_487 = arith.constant 0 : index
    %swap3A_488 = vector.load %arg7[%swap3A_485, %swap3A_486, %swap3A_487] : memref<128x102x256xf32, #tpu.memory_space<vmem>>, vector<1x102x256xf32>
    %swap3A_489 = vector.shape_cast %swap3A_488 : vector<1x102x256xf32> to vector<102x256xf32>
    %swap3A_490 = vector.shape_cast %slice3A_484 : vector<102x256xf32> to vector<1x102x256xf32>
    tpu.vector_store %arg7[%swap3A_485, %swap3A_486, %swap3A_487], %swap3A_490 {strides = array<i32>} : memref<128x102x256xf32, #tpu.memory_space<vmem>>, vector<1x102x256xf32>,
    %slice3A_491 = vector.extract_strided_slice %add3A_43 {offsets = [6656, 0], sizes = [102, 256], strides = [1, 1]} : vector<13312x256xf32> to vector<102x256xf32>
    %swap3A_492 = arith.constant 64 : index
    %swap3A_493 = arith.constant 0 : index
    %swap3A_494 = arith.constant 0 : index
    %swap3A_495 = vector.load %arg7[%swap3A_492, %swap3A_493, %swap3A_494] : memref<128x102x256xf32, #tpu.memory_space<vmem>>, vector<1x102x256xf32>
    %swap3A_496 = vector.shape_cast %swap3A_495 : vector<1x102x256xf32> to vector<102x256xf32>
    %swap3A_497 = vector.shape_cast %slice3A_491 : vector<102x256xf32> to vector<1x102x256xf32>
    tpu.vector_store %arg7[%swap3A_492, %swap3A_493, %swap3A_494], %swap3A_497 {strides = array<i32>} : memref<128x102x256xf32, #tpu.memory_space<vmem>>, vector<1x102x256xf32>,
    %slice3A_498 = vector.extract_strided_slice %add3A_43 {offsets = [6760, 0], sizes = [102, 256], strides = [1, 1]} : vector<13312x256xf32> to vector<102x256xf32>
    %swap3A_499 = arith.constant 65 : index
    %swap3A_500 = arith.constant 0 : index
    %swap3A_501 = arith.constant 0 : index
    %swap3A_502 = vector.load %arg7[%swap3A_499, %swap3A_500, %swap3A_501] : memref<128x102x256xf32, #tpu.memory_space<vmem>>, vector<1x102x256xf32>
    %swap3A_503 = vector.shape_cast %swap3A_502 : vector<1x102x256xf32> to vector<102x256xf32>
    %swap3A_504 = vector.shape_cast %slice3A_498 : vector<102x256xf32> to vector<1x102x256xf32>
    tpu.vector_store %arg7[%swap3A_499, %swap3A_500, %swap3A_501], %swap3A_504 {strides = array<i32>} : memref<128x102x256xf32, #tpu.memory_space<vmem>>, vector<1x102x256xf32>,
    %slice3A_505 = vector.extract_strided_slice %add3A_43 {offsets = [6864, 0], sizes = [102, 256], strides = [1, 1]} : vector<13312x256xf32> to vector<102x256xf32>
    %swap3A_506 = arith.constant 66 : index
    %swap3A_507 = arith.constant 0 : index
    %swap3A_508 = arith.constant 0 : index
    %swap3A_509 = vector.load %arg7[%swap3A_506, %swap3A_507, %swap3A_508] : memref<128x102x256xf32, #tpu.memory_space<vmem>>, vector<1x102x256xf32>
    %swap3A_510 = vector.shape_cast %swap3A_509 : vector<1x102x256xf32> to vector<102x256xf32>
    %swap3A_511 = vector.shape_cast %slice3A_505 : vector<102x256xf32> to vector<1x102x256xf32>
    tpu.vector_store %arg7[%swap3A_506, %swap3A_507, %swap3A_508], %swap3A_511 {strides = array<i32>} : memref<128x102x256xf32, #tpu.memory_space<vmem>>, vector<1x102x256xf32>,
    %slice3A_512 = vector.extract_strided_slice %add3A_43 {offsets = [6968, 0], sizes = [102, 256], strides = [1, 1]} : vector<13312x256xf32> to vector<102x256xf32>
    %swap3A_513 = arith.constant 67 : index
    %swap3A_514 = arith.constant 0 : index
    %swap3A_515 = arith.constant 0 : index
    %swap3A_516 = vector.load %arg7[%swap3A_513, %swap3A_514, %swap3A_515] : memref<128x102x256xf32, #tpu.memory_space<vmem>>, vector<1x102x256xf32>
    %swap3A_517 = vector.shape_cast %swap3A_516 : vector<1x102x256xf32> to vector<102x256xf32>
    %swap3A_518 = vector.shape_cast %slice3A_512 : vector<102x256xf32> to vector<1x102x256xf32>
    tpu.vector_store %arg7[%swap3A_513, %swap3A_514, %swap3A_515], %swap3A_518 {strides = array<i32>} : memref<128x102x256xf32, #tpu.memory_space<vmem>>, vector<1x102x256xf32>,
    %slice3A_519 = vector.extract_strided_slice %add3A_43 {offsets = [7072, 0], sizes = [102, 256], strides = [1, 1]} : vector<13312x256xf32> to vector<102x256xf32>
    %swap3A_520 = arith.constant 68 : index
    %swap3A_521 = arith.constant 0 : index
    %swap3A_522 = arith.constant 0 : index
    %swap3A_523 = vector.load %arg7[%swap3A_520, %swap3A_521, %swap3A_522] : memref<128x102x256xf32, #tpu.memory_space<vmem>>, vector<1x102x256xf32>
    %swap3A_524 = vector.shape_cast %swap3A_523 : vector<1x102x256xf32> to vector<102x256xf32>
    %swap3A_525 = vector.shape_cast %slice3A_519 : vector<102x256xf32> to vector<1x102x256xf32>
    tpu.vector_store %arg7[%swap3A_520, %swap3A_521, %swap3A_522], %swap3A_525 {strides = array<i32>} : memref<128x102x256xf32, #tpu.memory_space<vmem>>, vector<1x102x256xf32>,
    %slice3A_526 = vector.extract_strided_slice %add3A_43 {offsets = [7176, 0], sizes = [102, 256], strides = [1, 1]} : vector<13312x256xf32> to vector<102x256xf32>
    %swap3A_527 = arith.constant 69 : index
    %swap3A_528 = arith.constant 0 : index
    %swap3A_529 = arith.constant 0 : index
    %swap3A_530 = vector.load %arg7[%swap3A_527, %swap3A_528, %swap3A_529] : memref<128x102x256xf32, #tpu.memory_space<vmem>>, vector<1x102x256xf32>
    %swap3A_531 = vector.shape_cast %swap3A_530 : vector<1x102x256xf32> to vector<102x256xf32>
    %swap3A_532 = vector.shape_cast %slice3A_526 : vector<102x256xf32> to vector<1x102x256xf32>
    tpu.vector_store %arg7[%swap3A_527, %swap3A_528, %swap3A_529], %swap3A_532 {strides = array<i32>} : memref<128x102x256xf32, #tpu.memory_space<vmem>>, vector<1x102x256xf32>,
    %slice3A_533 = vector.extract_strided_slice %add3A_43 {offsets = [7280, 0], sizes = [102, 256], strides = [1, 1]} : vector<13312x256xf32> to vector<102x256xf32>
    %swap3A_534 = arith.constant 70 : index
    %swap3A_535 = arith.constant 0 : index
    %swap3A_536 = arith.constant 0 : index
    %swap3A_537 = vector.load %arg7[%swap3A_534, %swap3A_535, %swap3A_536] : memref<128x102x256xf32, #tpu.memory_space<vmem>>, vector<1x102x256xf32>
    %swap3A_538 = vector.shape_cast %swap3A_537 : vector<1x102x256xf32> to vector<102x256xf32>
    %swap3A_539 = vector.shape_cast %slice3A_533 : vector<102x256xf32> to vector<1x102x256xf32>
    tpu.vector_store %arg7[%swap3A_534, %swap3A_535, %swap3A_536], %swap3A_539 {strides = array<i32>} : memref<128x102x256xf32, #tpu.memory_space<vmem>>, vector<1x102x256xf32>,
    %slice3A_540 = vector.extract_strided_slice %add3A_43 {offsets = [7384, 0], sizes = [102, 256], strides = [1, 1]} : vector<13312x256xf32> to vector<102x256xf32>
    %swap3A_541 = arith.constant 71 : index
    %swap3A_542 = arith.constant 0 : index
    %swap3A_543 = arith.constant 0 : index
    %swap3A_544 = vector.load %arg7[%swap3A_541, %swap3A_542, %swap3A_543] : memref<128x102x256xf32, #tpu.memory_space<vmem>>, vector<1x102x256xf32>
    %swap3A_545 = vector.shape_cast %swap3A_544 : vector<1x102x256xf32> to vector<102x256xf32>
    %swap3A_546 = vector.shape_cast %slice3A_540 : vector<102x256xf32> to vector<1x102x256xf32>
    tpu.vector_store %arg7[%swap3A_541, %swap3A_542, %swap3A_543], %swap3A_546 {strides = array<i32>} : memref<128x102x256xf32, #tpu.memory_space<vmem>>, vector<1x102x256xf32>,
    %slice3A_547 = vector.extract_strided_slice %add3A_43 {offsets = [7488, 0], sizes = [102, 256], strides = [1, 1]} : vector<13312x256xf32> to vector<102x256xf32>
    %swap3A_548 = arith.constant 72 : index
    %swap3A_549 = arith.constant 0 : index
    %swap3A_550 = arith.constant 0 : index
    %swap3A_551 = vector.load %arg7[%swap3A_548, %swap3A_549, %swap3A_550] : memref<128x102x256xf32, #tpu.memory_space<vmem>>, vector<1x102x256xf32>
    %swap3A_552 = vector.shape_cast %swap3A_551 : vector<1x102x256xf32> to vector<102x256xf32>
    %swap3A_553 = vector.shape_cast %slice3A_547 : vector<102x256xf32> to vector<1x102x256xf32>
    tpu.vector_store %arg7[%swap3A_548, %swap3A_549, %swap3A_550], %swap3A_553 {strides = array<i32>} : memref<128x102x256xf32, #tpu.memory_space<vmem>>, vector<1x102x256xf32>,
    %slice3A_554 = vector.extract_strided_slice %add3A_43 {offsets = [7592, 0], sizes = [102, 256], strides = [1, 1]} : vector<13312x256xf32> to vector<102x256xf32>
    %swap3A_555 = arith.constant 73 : index
    %swap3A_556 = arith.constant 0 : index
    %swap3A_557 = arith.constant 0 : index
    %swap3A_558 = vector.load %arg7[%swap3A_555, %swap3A_556, %swap3A_557] : memref<128x102x256xf32, #tpu.memory_space<vmem>>, vector<1x102x256xf32>
    %swap3A_559 = vector.shape_cast %swap3A_558 : vector<1x102x256xf32> to vector<102x256xf32>
    %swap3A_560 = vector.shape_cast %slice3A_554 : vector<102x256xf32> to vector<1x102x256xf32>
    tpu.vector_store %arg7[%swap3A_555, %swap3A_556, %swap3A_557], %swap3A_560 {strides = array<i32>} : memref<128x102x256xf32, #tpu.memory_space<vmem>>, vector<1x102x256xf32>,
    %slice3A_561 = vector.extract_strided_slice %add3A_43 {offsets = [7696, 0], sizes = [102, 256], strides = [1, 1]} : vector<13312x256xf32> to vector<102x256xf32>
    %swap3A_562 = arith.constant 74 : index
    %swap3A_563 = arith.constant 0 : index
    %swap3A_564 = arith.constant 0 : index
    %swap3A_565 = vector.load %arg7[%swap3A_562, %swap3A_563, %swap3A_564] : memref<128x102x256xf32, #tpu.memory_space<vmem>>, vector<1x102x256xf32>
    %swap3A_566 = vector.shape_cast %swap3A_565 : vector<1x102x256xf32> to vector<102x256xf32>
    %swap3A_567 = vector.shape_cast %slice3A_561 : vector<102x256xf32> to vector<1x102x256xf32>
    tpu.vector_store %arg7[%swap3A_562, %swap3A_563, %swap3A_564], %swap3A_567 {strides = array<i32>} : memref<128x102x256xf32, #tpu.memory_space<vmem>>, vector<1x102x256xf32>,
    %slice3A_568 = vector.extract_strided_slice %add3A_43 {offsets = [7800, 0], sizes = [102, 256], strides = [1, 1]} : vector<13312x256xf32> to vector<102x256xf32>
    %swap3A_569 = arith.constant 75 : index
    %swap3A_570 = arith.constant 0 : index
    %swap3A_571 = arith.constant 0 : index
    %swap3A_572 = vector.load %arg7[%swap3A_569, %swap3A_570, %swap3A_571] : memref<128x102x256xf32, #tpu.memory_space<vmem>>, vector<1x102x256xf32>
    %swap3A_573 = vector.shape_cast %swap3A_572 : vector<1x102x256xf32> to vector<102x256xf32>
    %swap3A_574 = vector.shape_cast %slice3A_568 : vector<102x256xf32> to vector<1x102x256xf32>
    tpu.vector_store %arg7[%swap3A_569, %swap3A_570, %swap3A_571], %swap3A_574 {strides = array<i32>} : memref<128x102x256xf32, #tpu.memory_space<vmem>>, vector<1x102x256xf32>,
    %slice3A_575 = vector.extract_strided_slice %add3A_43 {offsets = [7904, 0], sizes = [102, 256], strides = [1, 1]} : vector<13312x256xf32> to vector<102x256xf32>
    %swap3A_576 = arith.constant 76 : index
    %swap3A_577 = arith.constant 0 : index
    %swap3A_578 = arith.constant 0 : index
    %swap3A_579 = vector.load %arg7[%swap3A_576, %swap3A_577, %swap3A_578] : memref<128x102x256xf32, #tpu.memory_space<vmem>>, vector<1x102x256xf32>
    %swap3A_580 = vector.shape_cast %swap3A_579 : vector<1x102x256xf32> to vector<102x256xf32>
    %swap3A_581 = vector.shape_cast %slice3A_575 : vector<102x256xf32> to vector<1x102x256xf32>
    tpu.vector_store %arg7[%swap3A_576, %swap3A_577, %swap3A_578], %swap3A_581 {strides = array<i32>} : memref<128x102x256xf32, #tpu.memory_space<vmem>>, vector<1x102x256xf32>,
    %slice3A_582 = vector.extract_strided_slice %add3A_43 {offsets = [8008, 0], sizes = [102, 256], strides = [1, 1]} : vector<13312x256xf32> to vector<102x256xf32>
    %swap3A_583 = arith.constant 77 : index
    %swap3A_584 = arith.constant 0 : index
    %swap3A_585 = arith.constant 0 : index
    %swap3A_586 = vector.load %arg7[%swap3A_583, %swap3A_584, %swap3A_585] : memref<128x102x256xf32, #tpu.memory_space<vmem>>, vector<1x102x256xf32>
    %swap3A_587 = vector.shape_cast %swap3A_586 : vector<1x102x256xf32> to vector<102x256xf32>
    %swap3A_588 = vector.shape_cast %slice3A_582 : vector<102x256xf32> to vector<1x102x256xf32>
    tpu.vector_store %arg7[%swap3A_583, %swap3A_584, %swap3A_585], %swap3A_588 {strides = array<i32>} : memref<128x102x256xf32, #tpu.memory_space<vmem>>, vector<1x102x256xf32>,
    %slice3A_589 = vector.extract_strided_slice %add3A_43 {offsets = [8112, 0], sizes = [102, 256], strides = [1, 1]} : vector<13312x256xf32> to vector<102x256xf32>
    %swap3A_590 = arith.constant 78 : index
    %swap3A_591 = arith.constant 0 : index
    %swap3A_592 = arith.constant 0 : index
    %swap3A_593 = vector.load %arg7[%swap3A_590, %swap3A_591, %swap3A_592] : memref<128x102x256xf32, #tpu.memory_space<vmem>>, vector<1x102x256xf32>
    %swap3A_594 = vector.shape_cast %swap3A_593 : vector<1x102x256xf32> to vector<102x256xf32>
    %swap3A_595 = vector.shape_cast %slice3A_589 : vector<102x256xf32> to vector<1x102x256xf32>
    tpu.vector_store %arg7[%swap3A_590, %swap3A_591, %swap3A_592], %swap3A_595 {strides = array<i32>} : memref<128x102x256xf32, #tpu.memory_space<vmem>>, vector<1x102x256xf32>,
    %slice3A_596 = vector.extract_strided_slice %add3A_43 {offsets = [8216, 0], sizes = [102, 256], strides = [1, 1]} : vector<13312x256xf32> to vector<102x256xf32>
    %swap3A_597 = arith.constant 79 : index
    %swap3A_598 = arith.constant 0 : index
    %swap3A_599 = arith.constant 0 : index
    %swap3A_600 = vector.load %arg7[%swap3A_597, %swap3A_598, %swap3A_599] : memref<128x102x256xf32, #tpu.memory_space<vmem>>, vector<1x102x256xf32>
    %swap3A_601 = vector.shape_cast %swap3A_600 : vector<1x102x256xf32> to vector<102x256xf32>
    %swap3A_602 = vector.shape_cast %slice3A_596 : vector<102x256xf32> to vector<1x102x256xf32>
    tpu.vector_store %arg7[%swap3A_597, %swap3A_598, %swap3A_599], %swap3A_602 {strides = array<i32>} : memref<128x102x256xf32, #tpu.memory_space<vmem>>, vector<1x102x256xf32>,
    %slice3A_603 = vector.extract_strided_slice %add3A_43 {offsets = [8320, 0], sizes = [102, 256], strides = [1, 1]} : vector<13312x256xf32> to vector<102x256xf32>
    %swap3A_604 = arith.constant 80 : index
    %swap3A_605 = arith.constant 0 : index
    %swap3A_606 = arith.constant 0 : index
    %swap3A_607 = vector.load %arg7[%swap3A_604, %swap3A_605, %swap3A_606] : memref<128x102x256xf32, #tpu.memory_space<vmem>>, vector<1x102x256xf32>
    %swap3A_608 = vector.shape_cast %swap3A_607 : vector<1x102x256xf32> to vector<102x256xf32>
    %swap3A_609 = vector.shape_cast %slice3A_603 : vector<102x256xf32> to vector<1x102x256xf32>
    tpu.vector_store %arg7[%swap3A_604, %swap3A_605, %swap3A_606], %swap3A_609 {strides = array<i32>} : memref<128x102x256xf32, #tpu.memory_space<vmem>>, vector<1x102x256xf32>,
    %slice3A_610 = vector.extract_strided_slice %add3A_43 {offsets = [8424, 0], sizes = [102, 256], strides = [1, 1]} : vector<13312x256xf32> to vector<102x256xf32>
    %swap3A_611 = arith.constant 81 : index
    %swap3A_612 = arith.constant 0 : index
    %swap3A_613 = arith.constant 0 : index
    %swap3A_614 = vector.load %arg7[%swap3A_611, %swap3A_612, %swap3A_613] : memref<128x102x256xf32, #tpu.memory_space<vmem>>, vector<1x102x256xf32>
    %swap3A_615 = vector.shape_cast %swap3A_614 : vector<1x102x256xf32> to vector<102x256xf32>
    %swap3A_616 = vector.shape_cast %slice3A_610 : vector<102x256xf32> to vector<1x102x256xf32>
    tpu.vector_store %arg7[%swap3A_611, %swap3A_612, %swap3A_613], %swap3A_616 {strides = array<i32>} : memref<128x102x256xf32, #tpu.memory_space<vmem>>, vector<1x102x256xf32>,
    %slice3A_617 = vector.extract_strided_slice %add3A_43 {offsets = [8528, 0], sizes = [102, 256], strides = [1, 1]} : vector<13312x256xf32> to vector<102x256xf32>
    %swap3A_618 = arith.constant 82 : index
    %swap3A_619 = arith.constant 0 : index
    %swap3A_620 = arith.constant 0 : index
    %swap3A_621 = vector.load %arg7[%swap3A_618, %swap3A_619, %swap3A_620] : memref<128x102x256xf32, #tpu.memory_space<vmem>>, vector<1x102x256xf32>
    %swap3A_622 = vector.shape_cast %swap3A_621 : vector<1x102x256xf32> to vector<102x256xf32>
    %swap3A_623 = vector.shape_cast %slice3A_617 : vector<102x256xf32> to vector<1x102x256xf32>
    tpu.vector_store %arg7[%swap3A_618, %swap3A_619, %swap3A_620], %swap3A_623 {strides = array<i32>} : memref<128x102x256xf32, #tpu.memory_space<vmem>>, vector<1x102x256xf32>,
    %slice3A_624 = vector.extract_strided_slice %add3A_43 {offsets = [8632, 0], sizes = [102, 256], strides = [1, 1]} : vector<13312x256xf32> to vector<102x256xf32>
    %swap3A_625 = arith.constant 83 : index
    %swap3A_626 = arith.constant 0 : index
    %swap3A_627 = arith.constant 0 : index
    %swap3A_628 = vector.load %arg7[%swap3A_625, %swap3A_626, %swap3A_627] : memref<128x102x256xf32, #tpu.memory_space<vmem>>, vector<1x102x256xf32>
    %swap3A_629 = vector.shape_cast %swap3A_628 : vector<1x102x256xf32> to vector<102x256xf32>
    %swap3A_630 = vector.shape_cast %slice3A_624 : vector<102x256xf32> to vector<1x102x256xf32>
    tpu.vector_store %arg7[%swap3A_625, %swap3A_626, %swap3A_627], %swap3A_630 {strides = array<i32>} : memref<128x102x256xf32, #tpu.memory_space<vmem>>, vector<1x102x256xf32>,
    %slice3A_631 = vector.extract_strided_slice %add3A_43 {offsets = [8736, 0], sizes = [102, 256], strides = [1, 1]} : vector<13312x256xf32> to vector<102x256xf32>
    %swap3A_632 = arith.constant 84 : index
    %swap3A_633 = arith.constant 0 : index
    %swap3A_634 = arith.constant 0 : index
    %swap3A_635 = vector.load %arg7[%swap3A_632, %swap3A_633, %swap3A_634] : memref<128x102x256xf32, #tpu.memory_space<vmem>>, vector<1x102x256xf32>
    %swap3A_636 = vector.shape_cast %swap3A_635 : vector<1x102x256xf32> to vector<102x256xf32>
    %swap3A_637 = vector.shape_cast %slice3A_631 : vector<102x256xf32> to vector<1x102x256xf32>
    tpu.vector_store %arg7[%swap3A_632, %swap3A_633, %swap3A_634], %swap3A_637 {strides = array<i32>} : memref<128x102x256xf32, #tpu.memory_space<vmem>>, vector<1x102x256xf32>,
    %slice3A_638 = vector.extract_strided_slice %add3A_43 {offsets = [8840, 0], sizes = [102, 256], strides = [1, 1]} : vector<13312x256xf32> to vector<102x256xf32>
    %swap3A_639 = arith.constant 85 : index
    %swap3A_640 = arith.constant 0 : index
    %swap3A_641 = arith.constant 0 : index
    %swap3A_642 = vector.load %arg7[%swap3A_639, %swap3A_640, %swap3A_641] : memref<128x102x256xf32, #tpu.memory_space<vmem>>, vector<1x102x256xf32>
    %swap3A_643 = vector.shape_cast %swap3A_642 : vector<1x102x256xf32> to vector<102x256xf32>
    %swap3A_644 = vector.shape_cast %slice3A_638 : vector<102x256xf32> to vector<1x102x256xf32>
    tpu.vector_store %arg7[%swap3A_639, %swap3A_640, %swap3A_641], %swap3A_644 {strides = array<i32>} : memref<128x102x256xf32, #tpu.memory_space<vmem>>, vector<1x102x256xf32>,
    %slice3A_645 = vector.extract_strided_slice %add3A_43 {offsets = [8944, 0], sizes = [102, 256], strides = [1, 1]} : vector<13312x256xf32> to vector<102x256xf32>
    %swap3A_646 = arith.constant 86 : index
    %swap3A_647 = arith.constant 0 : index
    %swap3A_648 = arith.constant 0 : index
    %swap3A_649 = vector.load %arg7[%swap3A_646, %swap3A_647, %swap3A_648] : memref<128x102x256xf32, #tpu.memory_space<vmem>>, vector<1x102x256xf32>
    %swap3A_650 = vector.shape_cast %swap3A_649 : vector<1x102x256xf32> to vector<102x256xf32>
    %swap3A_651 = vector.shape_cast %slice3A_645 : vector<102x256xf32> to vector<1x102x256xf32>
    tpu.vector_store %arg7[%swap3A_646, %swap3A_647, %swap3A_648], %swap3A_651 {strides = array<i32>} : memref<128x102x256xf32, #tpu.memory_space<vmem>>, vector<1x102x256xf32>,
    %slice3A_652 = vector.extract_strided_slice %add3A_43 {offsets = [9048, 0], sizes = [102, 256], strides = [1, 1]} : vector<13312x256xf32> to vector<102x256xf32>
    %swap3A_653 = arith.constant 87 : index
    %swap3A_654 = arith.constant 0 : index
    %swap3A_655 = arith.constant 0 : index
    %swap3A_656 = vector.load %arg7[%swap3A_653, %swap3A_654, %swap3A_655] : memref<128x102x256xf32, #tpu.memory_space<vmem>>, vector<1x102x256xf32>
    %swap3A_657 = vector.shape_cast %swap3A_656 : vector<1x102x256xf32> to vector<102x256xf32>
    %swap3A_658 = vector.shape_cast %slice3A_652 : vector<102x256xf32> to vector<1x102x256xf32>
    tpu.vector_store %arg7[%swap3A_653, %swap3A_654, %swap3A_655], %swap3A_658 {strides = array<i32>} : memref<128x102x256xf32, #tpu.memory_space<vmem>>, vector<1x102x256xf32>,
    %slice3A_659 = vector.extract_strided_slice %add3A_43 {offsets = [9152, 0], sizes = [102, 256], strides = [1, 1]} : vector<13312x256xf32> to vector<102x256xf32>
    %swap3A_660 = arith.constant 88 : index
    %swap3A_661 = arith.constant 0 : index
    %swap3A_662 = arith.constant 0 : index
    %swap3A_663 = vector.load %arg7[%swap3A_660, %swap3A_661, %swap3A_662] : memref<128x102x256xf32, #tpu.memory_space<vmem>>, vector<1x102x256xf32>
    %swap3A_664 = vector.shape_cast %swap3A_663 : vector<1x102x256xf32> to vector<102x256xf32>
    %swap3A_665 = vector.shape_cast %slice3A_659 : vector<102x256xf32> to vector<1x102x256xf32>
    tpu.vector_store %arg7[%swap3A_660, %swap3A_661, %swap3A_662], %swap3A_665 {strides = array<i32>} : memref<128x102x256xf32, #tpu.memory_space<vmem>>, vector<1x102x256xf32>,
    %slice3A_666 = vector.extract_strided_slice %add3A_43 {offsets = [9256, 0], sizes = [102, 256], strides = [1, 1]} : vector<13312x256xf32> to vector<102x256xf32>
    %swap3A_667 = arith.constant 89 : index
    %swap3A_668 = arith.constant 0 : index
    %swap3A_669 = arith.constant 0 : index
    %swap3A_670 = vector.load %arg7[%swap3A_667, %swap3A_668, %swap3A_669] : memref<128x102x256xf32, #tpu.memory_space<vmem>>, vector<1x102x256xf32>
    %swap3A_671 = vector.shape_cast %swap3A_670 : vector<1x102x256xf32> to vector<102x256xf32>
    %swap3A_672 = vector.shape_cast %slice3A_666 : vector<102x256xf32> to vector<1x102x256xf32>
    tpu.vector_store %arg7[%swap3A_667, %swap3A_668, %swap3A_669], %swap3A_672 {strides = array<i32>} : memref<128x102x256xf32, #tpu.memory_space<vmem>>, vector<1x102x256xf32>,
    %slice3A_673 = vector.extract_strided_slice %add3A_43 {offsets = [9360, 0], sizes = [102, 256], strides = [1, 1]} : vector<13312x256xf32> to vector<102x256xf32>
    %swap3A_674 = arith.constant 90 : index
    %swap3A_675 = arith.constant 0 : index
    %swap3A_676 = arith.constant 0 : index
    %swap3A_677 = vector.load %arg7[%swap3A_674, %swap3A_675, %swap3A_676] : memref<128x102x256xf32, #tpu.memory_space<vmem>>, vector<1x102x256xf32>
    %swap3A_678 = vector.shape_cast %swap3A_677 : vector<1x102x256xf32> to vector<102x256xf32>
    %swap3A_679 = vector.shape_cast %slice3A_673 : vector<102x256xf32> to vector<1x102x256xf32>
    tpu.vector_store %arg7[%swap3A_674, %swap3A_675, %swap3A_676], %swap3A_679 {strides = array<i32>} : memref<128x102x256xf32, #tpu.memory_space<vmem>>, vector<1x102x256xf32>,
    %slice3A_680 = vector.extract_strided_slice %add3A_43 {offsets = [9464, 0], sizes = [102, 256], strides = [1, 1]} : vector<13312x256xf32> to vector<102x256xf32>
    %swap3A_681 = arith.constant 91 : index
    %swap3A_682 = arith.constant 0 : index
    %swap3A_683 = arith.constant 0 : index
    %swap3A_684 = vector.load %arg7[%swap3A_681, %swap3A_682, %swap3A_683] : memref<128x102x256xf32, #tpu.memory_space<vmem>>, vector<1x102x256xf32>
    %swap3A_685 = vector.shape_cast %swap3A_684 : vector<1x102x256xf32> to vector<102x256xf32>
    %swap3A_686 = vector.shape_cast %slice3A_680 : vector<102x256xf32> to vector<1x102x256xf32>
    tpu.vector_store %arg7[%swap3A_681, %swap3A_682, %swap3A_683], %swap3A_686 {strides = array<i32>} : memref<128x102x256xf32, #tpu.memory_space<vmem>>, vector<1x102x256xf32>,
    %slice3A_687 = vector.extract_strided_slice %add3A_43 {offsets = [9568, 0], sizes = [102, 256], strides = [1, 1]} : vector<13312x256xf32> to vector<102x256xf32>
    %swap3A_688 = arith.constant 92 : index
    %swap3A_689 = arith.constant 0 : index
    %swap3A_690 = arith.constant 0 : index
    %swap3A_691 = vector.load %arg7[%swap3A_688, %swap3A_689, %swap3A_690] : memref<128x102x256xf32, #tpu.memory_space<vmem>>, vector<1x102x256xf32>
    %swap3A_692 = vector.shape_cast %swap3A_691 : vector<1x102x256xf32> to vector<102x256xf32>
    %swap3A_693 = vector.shape_cast %slice3A_687 : vector<102x256xf32> to vector<1x102x256xf32>
    tpu.vector_store %arg7[%swap3A_688, %swap3A_689, %swap3A_690], %swap3A_693 {strides = array<i32>} : memref<128x102x256xf32, #tpu.memory_space<vmem>>, vector<1x102x256xf32>,
    %slice3A_694 = vector.extract_strided_slice %add3A_43 {offsets = [9672, 0], sizes = [102, 256], strides = [1, 1]} : vector<13312x256xf32> to vector<102x256xf32>
    %swap3A_695 = arith.constant 93 : index
    %swap3A_696 = arith.constant 0 : index
    %swap3A_697 = arith.constant 0 : index
    %swap3A_698 = vector.load %arg7[%swap3A_695, %swap3A_696, %swap3A_697] : memref<128x102x256xf32, #tpu.memory_space<vmem>>, vector<1x102x256xf32>
    %swap3A_699 = vector.shape_cast %swap3A_698 : vector<1x102x256xf32> to vector<102x256xf32>
    %swap3A_700 = vector.shape_cast %slice3A_694 : vector<102x256xf32> to vector<1x102x256xf32>
    tpu.vector_store %arg7[%swap3A_695, %swap3A_696, %swap3A_697], %swap3A_700 {strides = array<i32>} : memref<128x102x256xf32, #tpu.memory_space<vmem>>, vector<1x102x256xf32>,
    %slice3A_701 = vector.extract_strided_slice %add3A_43 {offsets = [9776, 0], sizes = [102, 256], strides = [1, 1]} : vector<13312x256xf32> to vector<102x256xf32>
    %swap3A_702 = arith.constant 94 : index
    %swap3A_703 = arith.constant 0 : index
    %swap3A_704 = arith.constant 0 : index
    %swap3A_705 = vector.load %arg7[%swap3A_702, %swap3A_703, %swap3A_704] : memref<128x102x256xf32, #tpu.memory_space<vmem>>, vector<1x102x256xf32>
    %swap3A_706 = vector.shape_cast %swap3A_705 : vector<1x102x256xf32> to vector<102x256xf32>
    %swap3A_707 = vector.shape_cast %slice3A_701 : vector<102x256xf32> to vector<1x102x256xf32>
    tpu.vector_store %arg7[%swap3A_702, %swap3A_703, %swap3A_704], %swap3A_707 {strides = array<i32>} : memref<128x102x256xf32, #tpu.memory_space<vmem>>, vector<1x102x256xf32>,
    %slice3A_708 = vector.extract_strided_slice %add3A_43 {offsets = [9880, 0], sizes = [102, 256], strides = [1, 1]} : vector<13312x256xf32> to vector<102x256xf32>
    %swap3A_709 = arith.constant 95 : index
    %swap3A_710 = arith.constant 0 : index
    %swap3A_711 = arith.constant 0 : index
    %swap3A_712 = vector.load %arg7[%swap3A_709, %swap3A_710, %swap3A_711] : memref<128x102x256xf32, #tpu.memory_space<vmem>>, vector<1x102x256xf32>
    %swap3A_713 = vector.shape_cast %swap3A_712 : vector<1x102x256xf32> to vector<102x256xf32>
    %swap3A_714 = vector.shape_cast %slice3A_708 : vector<102x256xf32> to vector<1x102x256xf32>
    tpu.vector_store %arg7[%swap3A_709, %swap3A_710, %swap3A_711], %swap3A_714 {strides = array<i32>} : memref<128x102x256xf32, #tpu.memory_space<vmem>>, vector<1x102x256xf32>,
    %slice3A_715 = vector.extract_strided_slice %add3A_43 {offsets = [9984, 0], sizes = [102, 256], strides = [1, 1]} : vector<13312x256xf32> to vector<102x256xf32>
    %swap3A_716 = arith.constant 96 : index
    %swap3A_717 = arith.constant 0 : index
    %swap3A_718 = arith.constant 0 : index
    %swap3A_719 = vector.load %arg7[%swap3A_716, %swap3A_717, %swap3A_718] : memref<128x102x256xf32, #tpu.memory_space<vmem>>, vector<1x102x256xf32>
    %swap3A_720 = vector.shape_cast %swap3A_719 : vector<1x102x256xf32> to vector<102x256xf32>
    %swap3A_721 = vector.shape_cast %slice3A_715 : vector<102x256xf32> to vector<1x102x256xf32>
    tpu.vector_store %arg7[%swap3A_716, %swap3A_717, %swap3A_718], %swap3A_721 {strides = array<i32>} : memref<128x102x256xf32, #tpu.memory_space<vmem>>, vector<1x102x256xf32>,
    %slice3A_722 = vector.extract_strided_slice %add3A_43 {offsets = [10088, 0], sizes = [102, 256], strides = [1, 1]} : vector<13312x256xf32> to vector<102x256xf32>
    %swap3A_723 = arith.constant 97 : index
    %swap3A_724 = arith.constant 0 : index
    %swap3A_725 = arith.constant 0 : index
    %swap3A_726 = vector.load %arg7[%swap3A_723, %swap3A_724, %swap3A_725] : memref<128x102x256xf32, #tpu.memory_space<vmem>>, vector<1x102x256xf32>
    %swap3A_727 = vector.shape_cast %swap3A_726 : vector<1x102x256xf32> to vector<102x256xf32>
    %swap3A_728 = vector.shape_cast %slice3A_722 : vector<102x256xf32> to vector<1x102x256xf32>
    tpu.vector_store %arg7[%swap3A_723, %swap3A_724, %swap3A_725], %swap3A_728 {strides = array<i32>} : memref<128x102x256xf32, #tpu.memory_space<vmem>>, vector<1x102x256xf32>,
    %slice3A_729 = vector.extract_strided_slice %add3A_43 {offsets = [10192, 0], sizes = [102, 256], strides = [1, 1]} : vector<13312x256xf32> to vector<102x256xf32>
    %swap3A_730 = arith.constant 98 : index
    %swap3A_731 = arith.constant 0 : index
    %swap3A_732 = arith.constant 0 : index
    %swap3A_733 = vector.load %arg7[%swap3A_730, %swap3A_731, %swap3A_732] : memref<128x102x256xf32, #tpu.memory_space<vmem>>, vector<1x102x256xf32>
    %swap3A_734 = vector.shape_cast %swap3A_733 : vector<1x102x256xf32> to vector<102x256xf32>
    %swap3A_735 = vector.shape_cast %slice3A_729 : vector<102x256xf32> to vector<1x102x256xf32>
    tpu.vector_store %arg7[%swap3A_730, %swap3A_731, %swap3A_732], %swap3A_735 {strides = array<i32>} : memref<128x102x256xf32, #tpu.memory_space<vmem>>, vector<1x102x256xf32>,
    %slice3A_736 = vector.extract_strided_slice %add3A_43 {offsets = [10296, 0], sizes = [102, 256], strides = [1, 1]} : vector<13312x256xf32> to vector<102x256xf32>
    %swap3A_737 = arith.constant 99 : index
    %swap3A_738 = arith.constant 0 : index
    %swap3A_739 = arith.constant 0 : index
    %swap3A_740 = vector.load %arg7[%swap3A_737, %swap3A_738, %swap3A_739] : memref<128x102x256xf32, #tpu.memory_space<vmem>>, vector<1x102x256xf32>
    %swap3A_741 = vector.shape_cast %swap3A_740 : vector<1x102x256xf32> to vector<102x256xf32>
    %swap3A_742 = vector.shape_cast %slice3A_736 : vector<102x256xf32> to vector<1x102x256xf32>
    tpu.vector_store %arg7[%swap3A_737, %swap3A_738, %swap3A_739], %swap3A_742 {strides = array<i32>} : memref<128x102x256xf32, #tpu.memory_space<vmem>>, vector<1x102x256xf32>,
    %slice3A_743 = vector.extract_strided_slice %add3A_43 {offsets = [10400, 0], sizes = [102, 256], strides = [1, 1]} : vector<13312x256xf32> to vector<102x256xf32>
    %swap3A_744 = arith.constant 100 : index
    %swap3A_745 = arith.constant 0 : index
    %swap3A_746 = arith.constant 0 : index
    %swap3A_747 = vector.load %arg7[%swap3A_744, %swap3A_745, %swap3A_746] : memref<128x102x256xf32, #tpu.memory_space<vmem>>, vector<1x102x256xf32>
    %swap3A_748 = vector.shape_cast %swap3A_747 : vector<1x102x256xf32> to vector<102x256xf32>
    %swap3A_749 = vector.shape_cast %slice3A_743 : vector<102x256xf32> to vector<1x102x256xf32>
    tpu.vector_store %arg7[%swap3A_744, %swap3A_745, %swap3A_746], %swap3A_749 {strides = array<i32>} : memref<128x102x256xf32, #tpu.memory_space<vmem>>, vector<1x102x256xf32>,
    %slice3A_750 = vector.extract_strided_slice %add3A_43 {offsets = [10504, 0], sizes = [102, 256], strides = [1, 1]} : vector<13312x256xf32> to vector<102x256xf32>
    %swap3A_751 = arith.constant 101 : index
    %swap3A_752 = arith.constant 0 : index
    %swap3A_753 = arith.constant 0 : index
    %swap3A_754 = vector.load %arg7[%swap3A_751, %swap3A_752, %swap3A_753] : memref<128x102x256xf32, #tpu.memory_space<vmem>>, vector<1x102x256xf32>
    %swap3A_755 = vector.shape_cast %swap3A_754 : vector<1x102x256xf32> to vector<102x256xf32>
    %swap3A_756 = vector.shape_cast %slice3A_750 : vector<102x256xf32> to vector<1x102x256xf32>
    tpu.vector_store %arg7[%swap3A_751, %swap3A_752, %swap3A_753], %swap3A_756 {strides = array<i32>} : memref<128x102x256xf32, #tpu.memory_space<vmem>>, vector<1x102x256xf32>,
    %slice3A_757 = vector.extract_strided_slice %add3A_43 {offsets = [10608, 0], sizes = [102, 256], strides = [1, 1]} : vector<13312x256xf32> to vector<102x256xf32>
    %swap3A_758 = arith.constant 102 : index
    %swap3A_759 = arith.constant 0 : index
    %swap3A_760 = arith.constant 0 : index
    %swap3A_761 = vector.load %arg7[%swap3A_758, %swap3A_759, %swap3A_760] : memref<128x102x256xf32, #tpu.memory_space<vmem>>, vector<1x102x256xf32>
    %swap3A_762 = vector.shape_cast %swap3A_761 : vector<1x102x256xf32> to vector<102x256xf32>
    %swap3A_763 = vector.shape_cast %slice3A_757 : vector<102x256xf32> to vector<1x102x256xf32>
    tpu.vector_store %arg7[%swap3A_758, %swap3A_759, %swap3A_760], %swap3A_763 {strides = array<i32>} : memref<128x102x256xf32, #tpu.memory_space<vmem>>, vector<1x102x256xf32>,
    %slice3A_764 = vector.extract_strided_slice %add3A_43 {offsets = [10712, 0], sizes = [102, 256], strides = [1, 1]} : vector<13312x256xf32> to vector<102x256xf32>
    %swap3A_765 = arith.constant 103 : index
    %swap3A_766 = arith.constant 0 : index
    %swap3A_767 = arith.constant 0 : index
    %swap3A_768 = vector.load %arg7[%swap3A_765, %swap3A_766, %swap3A_767] : memref<128x102x256xf32, #tpu.memory_space<vmem>>, vector<1x102x256xf32>
    %swap3A_769 = vector.shape_cast %swap3A_768 : vector<1x102x256xf32> to vector<102x256xf32>
    %swap3A_770 = vector.shape_cast %slice3A_764 : vector<102x256xf32> to vector<1x102x256xf32>
    tpu.vector_store %arg7[%swap3A_765, %swap3A_766, %swap3A_767], %swap3A_770 {strides = array<i32>} : memref<128x102x256xf32, #tpu.memory_space<vmem>>, vector<1x102x256xf32>,
    %slice3A_771 = vector.extract_strided_slice %add3A_43 {offsets = [10816, 0], sizes = [102, 256], strides = [1, 1]} : vector<13312x256xf32> to vector<102x256xf32>
    %swap3A_772 = arith.constant 104 : index
    %swap3A_773 = arith.constant 0 : index
    %swap3A_774 = arith.constant 0 : index
    %swap3A_775 = vector.load %arg7[%swap3A_772, %swap3A_773, %swap3A_774] : memref<128x102x256xf32, #tpu.memory_space<vmem>>, vector<1x102x256xf32>
    %swap3A_776 = vector.shape_cast %swap3A_775 : vector<1x102x256xf32> to vector<102x256xf32>
    %swap3A_777 = vector.shape_cast %slice3A_771 : vector<102x256xf32> to vector<1x102x256xf32>
    tpu.vector_store %arg7[%swap3A_772, %swap3A_773, %swap3A_774], %swap3A_777 {strides = array<i32>} : memref<128x102x256xf32, #tpu.memory_space<vmem>>, vector<1x102x256xf32>,
    %slice3A_778 = vector.extract_strided_slice %add3A_43 {offsets = [10920, 0], sizes = [102, 256], strides = [1, 1]} : vector<13312x256xf32> to vector<102x256xf32>
    %swap3A_779 = arith.constant 105 : index
    %swap3A_780 = arith.constant 0 : index
    %swap3A_781 = arith.constant 0 : index
    %swap3A_782 = vector.load %arg7[%swap3A_779, %swap3A_780, %swap3A_781] : memref<128x102x256xf32, #tpu.memory_space<vmem>>, vector<1x102x256xf32>
    %swap3A_783 = vector.shape_cast %swap3A_782 : vector<1x102x256xf32> to vector<102x256xf32>
    %swap3A_784 = vector.shape_cast %slice3A_778 : vector<102x256xf32> to vector<1x102x256xf32>
    tpu.vector_store %arg7[%swap3A_779, %swap3A_780, %swap3A_781], %swap3A_784 {strides = array<i32>} : memref<128x102x256xf32, #tpu.memory_space<vmem>>, vector<1x102x256xf32>,
    %slice3A_785 = vector.extract_strided_slice %add3A_43 {offsets = [11024, 0], sizes = [102, 256], strides = [1, 1]} : vector<13312x256xf32> to vector<102x256xf32>
    %swap3A_786 = arith.constant 106 : index
    %swap3A_787 = arith.constant 0 : index
    %swap3A_788 = arith.constant 0 : index
    %swap3A_789 = vector.load %arg7[%swap3A_786, %swap3A_787, %swap3A_788] : memref<128x102x256xf32, #tpu.memory_space<vmem>>, vector<1x102x256xf32>
    %swap3A_790 = vector.shape_cast %swap3A_789 : vector<1x102x256xf32> to vector<102x256xf32>
    %swap3A_791 = vector.shape_cast %slice3A_785 : vector<102x256xf32> to vector<1x102x256xf32>
    tpu.vector_store %arg7[%swap3A_786, %swap3A_787, %swap3A_788], %swap3A_791 {strides = array<i32>} : memref<128x102x256xf32, #tpu.memory_space<vmem>>, vector<1x102x256xf32>,
    %slice3A_792 = vector.extract_strided_slice %add3A_43 {offsets = [11128, 0], sizes = [102, 256], strides = [1, 1]} : vector<13312x256xf32> to vector<102x256xf32>
    %swap3A_793 = arith.constant 107 : index
    %swap3A_794 = arith.constant 0 : index
    %swap3A_795 = arith.constant 0 : index
    %swap3A_796 = vector.load %arg7[%swap3A_793, %swap3A_794, %swap3A_795] : memref<128x102x256xf32, #tpu.memory_space<vmem>>, vector<1x102x256xf32>
    %swap3A_797 = vector.shape_cast %swap3A_796 : vector<1x102x256xf32> to vector<102x256xf32>
    %swap3A_798 = vector.shape_cast %slice3A_792 : vector<102x256xf32> to vector<1x102x256xf32>
    tpu.vector_store %arg7[%swap3A_793, %swap3A_794, %swap3A_795], %swap3A_798 {strides = array<i32>} : memref<128x102x256xf32, #tpu.memory_space<vmem>>, vector<1x102x256xf32>,
    %slice3A_799 = vector.extract_strided_slice %add3A_43 {offsets = [11232, 0], sizes = [102, 256], strides = [1, 1]} : vector<13312x256xf32> to vector<102x256xf32>
    %swap3A_800 = arith.constant 108 : index
    %swap3A_801 = arith.constant 0 : index
    %swap3A_802 = arith.constant 0 : index
    %swap3A_803 = vector.load %arg7[%swap3A_800, %swap3A_801, %swap3A_802] : memref<128x102x256xf32, #tpu.memory_space<vmem>>, vector<1x102x256xf32>
    %swap3A_804 = vector.shape_cast %swap3A_803 : vector<1x102x256xf32> to vector<102x256xf32>
    %swap3A_805 = vector.shape_cast %slice3A_799 : vector<102x256xf32> to vector<1x102x256xf32>
    tpu.vector_store %arg7[%swap3A_800, %swap3A_801, %swap3A_802], %swap3A_805 {strides = array<i32>} : memref<128x102x256xf32, #tpu.memory_space<vmem>>, vector<1x102x256xf32>,
    %slice3A_806 = vector.extract_strided_slice %add3A_43 {offsets = [11336, 0], sizes = [102, 256], strides = [1, 1]} : vector<13312x256xf32> to vector<102x256xf32>
    %swap3A_807 = arith.constant 109 : index
    %swap3A_808 = arith.constant 0 : index
    %swap3A_809 = arith.constant 0 : index
    %swap3A_810 = vector.load %arg7[%swap3A_807, %swap3A_808, %swap3A_809] : memref<128x102x256xf32, #tpu.memory_space<vmem>>, vector<1x102x256xf32>
    %swap3A_811 = vector.shape_cast %swap3A_810 : vector<1x102x256xf32> to vector<102x256xf32>
    %swap3A_812 = vector.shape_cast %slice3A_806 : vector<102x256xf32> to vector<1x102x256xf32>
    tpu.vector_store %arg7[%swap3A_807, %swap3A_808, %swap3A_809], %swap3A_812 {strides = array<i32>} : memref<128x102x256xf32, #tpu.memory_space<vmem>>, vector<1x102x256xf32>,
    %slice3A_813 = vector.extract_strided_slice %add3A_43 {offsets = [11440, 0], sizes = [102, 256], strides = [1, 1]} : vector<13312x256xf32> to vector<102x256xf32>
    %swap3A_814 = arith.constant 110 : index
    %swap3A_815 = arith.constant 0 : index
    %swap3A_816 = arith.constant 0 : index
    %swap3A_817 = vector.load %arg7[%swap3A_814, %swap3A_815, %swap3A_816] : memref<128x102x256xf32, #tpu.memory_space<vmem>>, vector<1x102x256xf32>
    %swap3A_818 = vector.shape_cast %swap3A_817 : vector<1x102x256xf32> to vector<102x256xf32>
    %swap3A_819 = vector.shape_cast %slice3A_813 : vector<102x256xf32> to vector<1x102x256xf32>
    tpu.vector_store %arg7[%swap3A_814, %swap3A_815, %swap3A_816], %swap3A_819 {strides = array<i32>} : memref<128x102x256xf32, #tpu.memory_space<vmem>>, vector<1x102x256xf32>,
    %slice3A_820 = vector.extract_strided_slice %add3A_43 {offsets = [11544, 0], sizes = [102, 256], strides = [1, 1]} : vector<13312x256xf32> to vector<102x256xf32>
    %swap3A_821 = arith.constant 111 : index
    %swap3A_822 = arith.constant 0 : index
    %swap3A_823 = arith.constant 0 : index
    %swap3A_824 = vector.load %arg7[%swap3A_821, %swap3A_822, %swap3A_823] : memref<128x102x256xf32, #tpu.memory_space<vmem>>, vector<1x102x256xf32>
    %swap3A_825 = vector.shape_cast %swap3A_824 : vector<1x102x256xf32> to vector<102x256xf32>
    %swap3A_826 = vector.shape_cast %slice3A_820 : vector<102x256xf32> to vector<1x102x256xf32>
    tpu.vector_store %arg7[%swap3A_821, %swap3A_822, %swap3A_823], %swap3A_826 {strides = array<i32>} : memref<128x102x256xf32, #tpu.memory_space<vmem>>, vector<1x102x256xf32>,
    %slice3A_827 = vector.extract_strided_slice %add3A_43 {offsets = [11648, 0], sizes = [102, 256], strides = [1, 1]} : vector<13312x256xf32> to vector<102x256xf32>
    %swap3A_828 = arith.constant 112 : index
    %swap3A_829 = arith.constant 0 : index
    %swap3A_830 = arith.constant 0 : index
    %swap3A_831 = vector.load %arg7[%swap3A_828, %swap3A_829, %swap3A_830] : memref<128x102x256xf32, #tpu.memory_space<vmem>>, vector<1x102x256xf32>
    %swap3A_832 = vector.shape_cast %swap3A_831 : vector<1x102x256xf32> to vector<102x256xf32>
    %swap3A_833 = vector.shape_cast %slice3A_827 : vector<102x256xf32> to vector<1x102x256xf32>
    tpu.vector_store %arg7[%swap3A_828, %swap3A_829, %swap3A_830], %swap3A_833 {strides = array<i32>} : memref<128x102x256xf32, #tpu.memory_space<vmem>>, vector<1x102x256xf32>,
    %slice3A_834 = vector.extract_strided_slice %add3A_43 {offsets = [11752, 0], sizes = [102, 256], strides = [1, 1]} : vector<13312x256xf32> to vector<102x256xf32>
    %swap3A_835 = arith.constant 113 : index
    %swap3A_836 = arith.constant 0 : index
    %swap3A_837 = arith.constant 0 : index
    %swap3A_838 = vector.load %arg7[%swap3A_835, %swap3A_836, %swap3A_837] : memref<128x102x256xf32, #tpu.memory_space<vmem>>, vector<1x102x256xf32>
    %swap3A_839 = vector.shape_cast %swap3A_838 : vector<1x102x256xf32> to vector<102x256xf32>
    %swap3A_840 = vector.shape_cast %slice3A_834 : vector<102x256xf32> to vector<1x102x256xf32>
    tpu.vector_store %arg7[%swap3A_835, %swap3A_836, %swap3A_837], %swap3A_840 {strides = array<i32>} : memref<128x102x256xf32, #tpu.memory_space<vmem>>, vector<1x102x256xf32>,
    %slice3A_841 = vector.extract_strided_slice %add3A_43 {offsets = [11856, 0], sizes = [102, 256], strides = [1, 1]} : vector<13312x256xf32> to vector<102x256xf32>
    %swap3A_842 = arith.constant 114 : index
    %swap3A_843 = arith.constant 0 : index
    %swap3A_844 = arith.constant 0 : index
    %swap3A_845 = vector.load %arg7[%swap3A_842, %swap3A_843, %swap3A_844] : memref<128x102x256xf32, #tpu.memory_space<vmem>>, vector<1x102x256xf32>
    %swap3A_846 = vector.shape_cast %swap3A_845 : vector<1x102x256xf32> to vector<102x256xf32>
    %swap3A_847 = vector.shape_cast %slice3A_841 : vector<102x256xf32> to vector<1x102x256xf32>
    tpu.vector_store %arg7[%swap3A_842, %swap3A_843, %swap3A_844], %swap3A_847 {strides = array<i32>} : memref<128x102x256xf32, #tpu.memory_space<vmem>>, vector<1x102x256xf32>,
    %slice3A_848 = vector.extract_strided_slice %add3A_43 {offsets = [11960, 0], sizes = [102, 256], strides = [1, 1]} : vector<13312x256xf32> to vector<102x256xf32>
    %swap3A_849 = arith.constant 115 : index
    %swap3A_850 = arith.constant 0 : index
    %swap3A_851 = arith.constant 0 : index
    %swap3A_852 = vector.load %arg7[%swap3A_849, %swap3A_850, %swap3A_851] : memref<128x102x256xf32, #tpu.memory_space<vmem>>, vector<1x102x256xf32>
    %swap3A_853 = vector.shape_cast %swap3A_852 : vector<1x102x256xf32> to vector<102x256xf32>
    %swap3A_854 = vector.shape_cast %slice3A_848 : vector<102x256xf32> to vector<1x102x256xf32>
    tpu.vector_store %arg7[%swap3A_849, %swap3A_850, %swap3A_851], %swap3A_854 {strides = array<i32>} : memref<128x102x256xf32, #tpu.memory_space<vmem>>, vector<1x102x256xf32>,
    %slice3A_855 = vector.extract_strided_slice %add3A_43 {offsets = [12064, 0], sizes = [102, 256], strides = [1, 1]} : vector<13312x256xf32> to vector<102x256xf32>
    %swap3A_856 = arith.constant 116 : index
    %swap3A_857 = arith.constant 0 : index
    %swap3A_858 = arith.constant 0 : index
    %swap3A_859 = vector.load %arg7[%swap3A_856, %swap3A_857, %swap3A_858] : memref<128x102x256xf32, #tpu.memory_space<vmem>>, vector<1x102x256xf32>
    %swap3A_860 = vector.shape_cast %swap3A_859 : vector<1x102x256xf32> to vector<102x256xf32>
    %swap3A_861 = vector.shape_cast %slice3A_855 : vector<102x256xf32> to vector<1x102x256xf32>
    tpu.vector_store %arg7[%swap3A_856, %swap3A_857, %swap3A_858], %swap3A_861 {strides = array<i32>} : memref<128x102x256xf32, #tpu.memory_space<vmem>>, vector<1x102x256xf32>,
    %slice3A_862 = vector.extract_strided_slice %add3A_43 {offsets = [12168, 0], sizes = [102, 256], strides = [1, 1]} : vector<13312x256xf32> to vector<102x256xf32>
    %swap3A_863 = arith.constant 117 : index
    %swap3A_864 = arith.constant 0 : index
    %swap3A_865 = arith.constant 0 : index
    %swap3A_866 = vector.load %arg7[%swap3A_863, %swap3A_864, %swap3A_865] : memref<128x102x256xf32, #tpu.memory_space<vmem>>, vector<1x102x256xf32>
    %swap3A_867 = vector.shape_cast %swap3A_866 : vector<1x102x256xf32> to vector<102x256xf32>
    %swap3A_868 = vector.shape_cast %slice3A_862 : vector<102x256xf32> to vector<1x102x256xf32>
    tpu.vector_store %arg7[%swap3A_863, %swap3A_864, %swap3A_865], %swap3A_868 {strides = array<i32>} : memref<128x102x256xf32, #tpu.memory_space<vmem>>, vector<1x102x256xf32>,
    %slice3A_869 = vector.extract_strided_slice %add3A_43 {offsets = [12272, 0], sizes = [102, 256], strides = [1, 1]} : vector<13312x256xf32> to vector<102x256xf32>
    %swap3A_870 = arith.constant 118 : index
    %swap3A_871 = arith.constant 0 : index
    %swap3A_872 = arith.constant 0 : index
    %swap3A_873 = vector.load %arg7[%swap3A_870, %swap3A_871, %swap3A_872] : memref<128x102x256xf32, #tpu.memory_space<vmem>>, vector<1x102x256xf32>
    %swap3A_874 = vector.shape_cast %swap3A_873 : vector<1x102x256xf32> to vector<102x256xf32>
    %swap3A_875 = vector.shape_cast %slice3A_869 : vector<102x256xf32> to vector<1x102x256xf32>
    tpu.vector_store %arg7[%swap3A_870, %swap3A_871, %swap3A_872], %swap3A_875 {strides = array<i32>} : memref<128x102x256xf32, #tpu.memory_space<vmem>>, vector<1x102x256xf32>,
    %slice3A_876 = vector.extract_strided_slice %add3A_43 {offsets = [12376, 0], sizes = [102, 256], strides = [1, 1]} : vector<13312x256xf32> to vector<102x256xf32>
    %swap3A_877 = arith.constant 119 : index
    %swap3A_878 = arith.constant 0 : index
    %swap3A_879 = arith.constant 0 : index
    %swap3A_880 = vector.load %arg7[%swap3A_877, %swap3A_878, %swap3A_879] : memref<128x102x256xf32, #tpu.memory_space<vmem>>, vector<1x102x256xf32>
    %swap3A_881 = vector.shape_cast %swap3A_880 : vector<1x102x256xf32> to vector<102x256xf32>
    %swap3A_882 = vector.shape_cast %slice3A_876 : vector<102x256xf32> to vector<1x102x256xf32>
    tpu.vector_store %arg7[%swap3A_877, %swap3A_878, %swap3A_879], %swap3A_882 {strides = array<i32>} : memref<128x102x256xf32, #tpu.memory_space<vmem>>, vector<1x102x256xf32>,
    %slice3A_883 = vector.extract_strided_slice %add3A_43 {offsets = [12480, 0], sizes = [102, 256], strides = [1, 1]} : vector<13312x256xf32> to vector<102x256xf32>
    %swap3A_884 = arith.constant 120 : index
    %swap3A_885 = arith.constant 0 : index
    %swap3A_886 = arith.constant 0 : index
    %swap3A_887 = vector.load %arg7[%swap3A_884, %swap3A_885, %swap3A_886] : memref<128x102x256xf32, #tpu.memory_space<vmem>>, vector<1x102x256xf32>
    %swap3A_888 = vector.shape_cast %swap3A_887 : vector<1x102x256xf32> to vector<102x256xf32>
    %swap3A_889 = vector.shape_cast %slice3A_883 : vector<102x256xf32> to vector<1x102x256xf32>
    tpu.vector_store %arg7[%swap3A_884, %swap3A_885, %swap3A_886], %swap3A_889 {strides = array<i32>} : memref<128x102x256xf32, #tpu.memory_space<vmem>>, vector<1x102x256xf32>,
    %slice3A_890 = vector.extract_strided_slice %add3A_43 {offsets = [12584, 0], sizes = [102, 256], strides = [1, 1]} : vector<13312x256xf32> to vector<102x256xf32>
    %swap3A_891 = arith.constant 121 : index
    %swap3A_892 = arith.constant 0 : index
    %swap3A_893 = arith.constant 0 : index
    %swap3A_894 = vector.load %arg7[%swap3A_891, %swap3A_892, %swap3A_893] : memref<128x102x256xf32, #tpu.memory_space<vmem>>, vector<1x102x256xf32>
    %swap3A_895 = vector.shape_cast %swap3A_894 : vector<1x102x256xf32> to vector<102x256xf32>
    %swap3A_896 = vector.shape_cast %slice3A_890 : vector<102x256xf32> to vector<1x102x256xf32>
    tpu.vector_store %arg7[%swap3A_891, %swap3A_892, %swap3A_893], %swap3A_896 {strides = array<i32>} : memref<128x102x256xf32, #tpu.memory_space<vmem>>, vector<1x102x256xf32>,
    %slice3A_897 = vector.extract_strided_slice %add3A_43 {offsets = [12688, 0], sizes = [102, 256], strides = [1, 1]} : vector<13312x256xf32> to vector<102x256xf32>
    %swap3A_898 = arith.constant 122 : index
    %swap3A_899 = arith.constant 0 : index
    %swap3A_900 = arith.constant 0 : index
    %swap3A_901 = vector.load %arg7[%swap3A_898, %swap3A_899, %swap3A_900] : memref<128x102x256xf32, #tpu.memory_space<vmem>>, vector<1x102x256xf32>
    %swap3A_902 = vector.shape_cast %swap3A_901 : vector<1x102x256xf32> to vector<102x256xf32>
    %swap3A_903 = vector.shape_cast %slice3A_897 : vector<102x256xf32> to vector<1x102x256xf32>
    tpu.vector_store %arg7[%swap3A_898, %swap3A_899, %swap3A_900], %swap3A_903 {strides = array<i32>} : memref<128x102x256xf32, #tpu.memory_space<vmem>>, vector<1x102x256xf32>,
    %slice3A_904 = vector.extract_strided_slice %add3A_43 {offsets = [12792, 0], sizes = [102, 256], strides = [1, 1]} : vector<13312x256xf32> to vector<102x256xf32>
    %swap3A_905 = arith.constant 123 : index
    %swap3A_906 = arith.constant 0 : index
    %swap3A_907 = arith.constant 0 : index
    %swap3A_908 = vector.load %arg7[%swap3A_905, %swap3A_906, %swap3A_907] : memref<128x102x256xf32, #tpu.memory_space<vmem>>, vector<1x102x256xf32>
    %swap3A_909 = vector.shape_cast %swap3A_908 : vector<1x102x256xf32> to vector<102x256xf32>
    %swap3A_910 = vector.shape_cast %slice3A_904 : vector<102x256xf32> to vector<1x102x256xf32>
    tpu.vector_store %arg7[%swap3A_905, %swap3A_906, %swap3A_907], %swap3A_910 {strides = array<i32>} : memref<128x102x256xf32, #tpu.memory_space<vmem>>, vector<1x102x256xf32>,
    %slice3A_911 = vector.extract_strided_slice %add3A_43 {offsets = [12896, 0], sizes = [102, 256], strides = [1, 1]} : vector<13312x256xf32> to vector<102x256xf32>
    %swap3A_912 = arith.constant 124 : index
    %swap3A_913 = arith.constant 0 : index
    %swap3A_914 = arith.constant 0 : index
    %swap3A_915 = vector.load %arg7[%swap3A_912, %swap3A_913, %swap3A_914] : memref<128x102x256xf32, #tpu.memory_space<vmem>>, vector<1x102x256xf32>
    %swap3A_916 = vector.shape_cast %swap3A_915 : vector<1x102x256xf32> to vector<102x256xf32>
    %swap3A_917 = vector.shape_cast %slice3A_911 : vector<102x256xf32> to vector<1x102x256xf32>
    tpu.vector_store %arg7[%swap3A_912, %swap3A_913, %swap3A_914], %swap3A_917 {strides = array<i32>} : memref<128x102x256xf32, #tpu.memory_space<vmem>>, vector<1x102x256xf32>,
    %slice3A_918 = vector.extract_strided_slice %add3A_43 {offsets = [13000, 0], sizes = [102, 256], strides = [1, 1]} : vector<13312x256xf32> to vector<102x256xf32>
    %swap3A_919 = arith.constant 125 : index
    %swap3A_920 = arith.constant 0 : index
    %swap3A_921 = arith.constant 0 : index
    %swap3A_922 = vector.load %arg7[%swap3A_919, %swap3A_920, %swap3A_921] : memref<128x102x256xf32, #tpu.memory_space<vmem>>, vector<1x102x256xf32>
    %swap3A_923 = vector.shape_cast %swap3A_922 : vector<1x102x256xf32> to vector<102x256xf32>
    %swap3A_924 = vector.shape_cast %slice3A_918 : vector<102x256xf32> to vector<1x102x256xf32>
    tpu.vector_store %arg7[%swap3A_919, %swap3A_920, %swap3A_921], %swap3A_924 {strides = array<i32>} : memref<128x102x256xf32, #tpu.memory_space<vmem>>, vector<1x102x256xf32>,
    %slice3A_925 = vector.extract_strided_slice %add3A_43 {offsets = [13104, 0], sizes = [102, 256], strides = [1, 1]} : vector<13312x256xf32> to vector<102x256xf32>
    %swap3A_926 = arith.constant 126 : index
    %swap3A_927 = arith.constant 0 : index
    %swap3A_928 = arith.constant 0 : index
    %swap3A_929 = vector.load %arg7[%swap3A_926, %swap3A_927, %swap3A_928] : memref<128x102x256xf32, #tpu.memory_space<vmem>>, vector<1x102x256xf32>
    %swap3A_930 = vector.shape_cast %swap3A_929 : vector<1x102x256xf32> to vector<102x256xf32>
    %swap3A_931 = vector.shape_cast %slice3A_925 : vector<102x256xf32> to vector<1x102x256xf32>
    tpu.vector_store %arg7[%swap3A_926, %swap3A_927, %swap3A_928], %swap3A_931 {strides = array<i32>} : memref<128x102x256xf32, #tpu.memory_space<vmem>>, vector<1x102x256xf32>,
    %slice3A_932 = vector.extract_strided_slice %add3A_43 {offsets = [13208, 0], sizes = [102, 256], strides = [1, 1]} : vector<13312x256xf32> to vector<102x256xf32>
    %swap3A_933 = arith.constant 127 : index
    %swap3A_934 = arith.constant 0 : index
    %swap3A_935 = arith.constant 0 : index
    %swap3A_936 = vector.load %arg7[%swap3A_933, %swap3A_934, %swap3A_935] : memref<128x102x256xf32, #tpu.memory_space<vmem>>, vector<1x102x256xf32>
    %swap3A_937 = vector.shape_cast %swap3A_936 : vector<1x102x256xf32> to vector<102x256xf32>
    %swap3A_938 = vector.shape_cast %slice3A_932 : vector<102x256xf32> to vector<1x102x256xf32>
    tpu.vector_store %arg7[%swap3A_933, %swap3A_934, %swap3A_935], %swap3A_938 {strides = array<i32>} : memref<128x102x256xf32, #tpu.memory_space<vmem>>, vector<1x102x256xf32>,
    return
  }
  func.func @transform_0(%arg0: i32) -> (i32, i32) {
    %c0_i32 = arith.constant 0 : i32
    %c0_i32_0 = arith.constant 0 : i32
    return %arg0, %c0_i32 : i32, i32
  }
  func.func @transform_1(%arg0: i32) -> (i32, i32) {
    %c0_i32 = arith.constant 0 : i32
    %c0_i32_0 = arith.constant 0 : i32
    %c0_i32_1 = arith.constant 0 : i32
    return %c0_i32, %c0_i32_0 : i32, i32
  }
  func.func @transform_2(%arg0: i32) -> (i32, i32) {
    %c0_i32 = arith.constant 0 : i32
    %c0_i32_0 = arith.constant 0 : i32
    %c0_i32_1 = arith.constant 0 : i32
    return %c0_i32, %c0_i32_0 : i32, i32
  }
  func.func @transform_3(%arg0: i32) -> (i32, i32) {
    %c0_i32 = arith.constant 0 : i32
    %c0_i32_0 = arith.constant 0 : i32
    %c0_i32_1 = arith.constant 0 : i32
    return %c0_i32, %c0_i32_0 : i32, i32
  }
  func.func @transform_4(%arg0: i32) -> (i32, i32) {
    %c0_i32 = arith.constant 0 : i32
    %c0_i32_0 = arith.constant 0 : i32
    %c0_i32_1 = arith.constant 0 : i32
    return %c0_i32, %c0_i32_0 : i32, i32
  }
  func.func @transform_5(%arg0: i32) -> (i32, i32) {
    %c0_i32 = arith.constant 0 : i32
    %c0_i32_0 = arith.constant 0 : i32
    %c0_i32_1 = arith.constant 0 : i32
    return %c0_i32, %c0_i32_0 : i32, i32
  }
  func.func @transform_6(%arg0: i32) -> (i32, i32, i32) {
    %c0_i32 = arith.constant 0 : i32
    %c0_i32_0 = arith.constant 0 : i32
    %c0_i32_1 = arith.constant 0 : i32
    return %arg0, %c0_i32, %c0_i32_0 : i32, i32, i32
  }
}

</mosaic_0001>

<sc_bundles>
// kernel: sparse-core-data-format-call.cloned.1.call-start
scs
called_computation_lowered:
.L_overlay_start_0:
0x0: {  	s2 =	sld [smem:$0x3FD9]  }
0x1: {  	s3 =	sld [smem:$0x3FFE];
	_ =	sdelay $0x1  }
0x2: {  	s1 =	srdreg.scid  }
0x3: {  	s0 =	sand.u32 $0x1, s1  }
0x4: {  	s18 =	sshll.u32 s0, $0xA;
	s2 =	sadd.s32 s3, s2  }
0x5: {  	s2 =	sadd.s32 s2, s18  }
0x6: {  	[smem:$0x3FC2] =	sst s2  }
0x7: {  	_ = 	snop  }
0x8: {  	s2 =	sld [smem:$0x3FD0];
	(tm) =	ssettm $0x1  }
0x9: {  	s19 =	sld [smem:$0x3FFB];
	_ =	sdelay $0x3  }
0xa: {  	_ =	strace s19  }
0xb: {  	s3 =	sld [smem:$0x3FFC];
	_ =	sdelay $0x3  }
0xc: {  	_ =	strace s3  }
0xd: {  	s3 =	sld [smem:$0x3FFD];
	_ =	sdelay $0x3  }
0xe: {  	_ =	strace s3  }
0xf: {  	_ =	strace $0x8FFFFFFF  }
0x10: {  	s20 =	sld [smem:$0x3FDB];
	_ =	sdelay $0x1  }
0x11: {  	s4 =	simm.s32 $_scs_section_size  }
0x12: {  	s5 =	simm.s32 $_size__tile_overlayer_lowered;
	s6 =	simm.s32 $_tile_overlayer_lowered  }
0x13: {  	s23 =	simm.s32 $0x1BFF;
	s22 =	sshll.u32 s6, $0x1;
	s3 =	sadd.s32 s4, s20  }
0x14: {  	s7 =	simm.s32 $0x0;
	s21 =	sshll.u32 s5, $0x1;
	s5 =	sadd.s32 s22, s3  }
0x15: {  	[timem:s7], [sflag:s23] =	dma.local [hbm:s5], s21  }
0x16: {  	_ =	swait.ge [sflag:s23], s21  }
0x17: {  	s4 =	ssub.s32 $0x0, s21;
	[sflag:s23] =	ssyncset.done $0x0  }
0x18: {  	[sflag:s23] =	ssyncadd.s32 s4;
	_ =	sdelay $0x1  }
0x19: {  	s24 =	simm.s32 $0x1B8B  }
0x1a: {  	_ =	swait.ge [sflag:s24], $0x1  }
0x1b: {  	[sflag:s24] =	ssyncset.done $0x0  }
0x1c: {  	s26 =	simm.s32 $0x1B8E;
	s25 =	sld [smem:$0x3FFE];
	[sflag:s24] =	ssyncadd.s32 $0xFFFFFFFF  }
0x1d: {  	s27 =	simm.s32 $execute0_lowered;
	[smem:$0x3FD2] =	sst s26  }
0x1e: {  	s5 =	sshll.u32 s27, $0x1;
	_ =	strace $0x80000046;
	[dreg:$0x1] =	wrdreg $0xFFFFFFFF  }
0x1f: {  	s28 =	simm.s32 $_size_execute0_lowered;
	s3 =	sadd.s32 s3, s5;
	[dreg:$0x0] =	wrdreg $0x0  }
0x20: {  	s5 =	sshll.u32 s28, $0x1;
	[dreg:$0x2] =	wrdreg s3  }
0x21: {  	[dreg:$0x3] =	wrdreg s5  }
0x22: {  	[dreg:$0x4] =	wrdreg $0xC0  }
0x23: {  	_ =	task [dreg:s7], $0x5FFFF  }
0x24: {  	[dreg:$0x1] =	wrdreg $0xFFFFFFFF  }
0x25: {  	[dreg:$0x0] =	wrdreg $0x60  }
0x26: {  	[dreg:$0x2] =	wrdreg s25  }
0x27: {  	[dreg:$0x3] =	wrdreg s2  }
0x28: {  	[dreg:$0x4] =	wrdreg $0x9  }
0x29: {  	_ =	task.clear_ibuf [dreg:s7], $0x5FFFF;
	_ =	strace $0x90000046  }
0x2a: {  	s29 =	simm.s32 $0x9;
	_ =	strace $0x80000048  }
0x2b: {  	_ =	swait.ge [sflag:s29], $0x1  }
0x2c: {  	[sflag:s29] =	ssyncadd.s32 $0xFFFFFFFF  }
0x2d: {  	_ =	strace $0x90000048  }
0x2e: {  	_ =	sfence  }
0x2f: {  	s30 =	sld [smem:$0x0];
	_ =	sdelay $0x2  }
0x30: {  	s31 =	sshll.u32 s1, $0xD;
	s1 =	sshrl.u32 s1, $0x2  }
0x31: {  	s3 =	sand.u32 $0x4000, s31;
	s1 =	sadd.s32 s1, s30  }
0x32: {  	s0 =	sor.u32 s3, s0;
	s1 =	sshll.u32 s1, $0x11  }
0x33: {  	s0 =	sor.u32 s1, s0  }
0x34: {  	s0 =	sadd.s32 $0x8F2B, s0  }
0x35: {  	[sflag:s0] =	ssyncadd.remote.s32 $0x1  }
0x36: {  	_ =	sfence.sel $0xFFFF  }
0x37: {  	[dreg:$0x0] =	wrdreg $0xFFFFFFFF;
	(pc) =	sbr.abs _section_cstart, $3  }
0x38: {  	[dreg:$0x1] =	wrdreg $0xFFFFFFFF  }
0x39: {  	_ =	task.clear_ibuf [dreg:s7], $0x2FFFF;
	_ =	strace $0x9FFFFFFF  }
0x3a: {  	(tm) =	ssettm $0x7FFFFFFF  }
0x3b: {  	_ =	shalt  }
tec
execute0_lowered:
.L_overlay_start_1:
0x0: {  	(tag) =	ssettag $0x1  }
0x1: {  	s1 =	srdreg.scid  }
0x2: {  	s0 =	stileid.u32;
	s5 =	rddreg [dreg:$0x0]  }
0x3: {  	s4 =	rddreg [dreg:$0x1];
	s31 =	simm.s32 $0x2;
	s21 =	simm.s32 $0x0  }
0x4: {  	s11 =	simm.s32 $0x400;
	s12 =	simm.s32 $0x800;
	s13 =	simm.s32 $0x0  }
0x5: {  	s18 =	simm.s32 $0x0;
	s19 =	simm.s32 $0x0;
	s20 =	simm.s32 $0x0  }
0x6: {  	s15 =	simm.s32 $0x0;
	s1 =	sshll.u32 s1, $0x7;
	s2 =	sshrl.u32 s0, $0x3  }
0x7: {  	s17 =	simm.s32 $0x0;
	s3 =	sand.u32 $0x80, s1;
	s6 =	ssub.s32 $0x66, s2  }
0x8: {  	s1 =	rddreg [dreg:$0x2];
	_ =	strace $0x80000047;
	s7 =	ssub.s32 $0x100, s3  }
0x9: {  	s8 =	sshrl.u32 s6, $0x1;
	s6 =	sand.u32 $0x1, s6;
	s9 =	sshrl.u32 s7, $0x7  }
.Ltmp0:
0xa: {  	s7 =	sshrl.u32 s7, $0x8;
	s9 =	sand.u32 $0x1, s9;
	(pc) =	sbr.rel .LBB1_1-.Ltmp0, $4  }
0xb: {  	s8 =	sadd.s32 s6, s8;
	s6 =	simm.s32 $0x1;
	s7 =	sadd.s32 s7, s9  }
0xc: {  	s5 =	sadd.s32 $0xC00, s5;
	[sflag:s6] =	ssyncpa.u1 $0x0;
	s7 =	smul.u32 s8, s7  }
0xd: {  	s14 =	smov.u32 s2;
	[sflag:s31] =	ssyncpa.u1 $0x0;
	s8 =	sand.u32 $0x7, s0  }
0xe: {  	s9 =	sshll.u32 s3, $0x3;
	s16 =	smov.u32 s8;
	s10 =	sadd.s32 $0x1, s7  }
.LBB1_4:
0xf: {  	_ =	sdelay $0x3  }
0x10: {  	[tilespmem:v0+s24+$0xFFFFFFD0 ss:$0x1] =	vst.idx.msk $0xffff, v6  }
0x11: {  	v56 =	vld.idx.msk [tilespmem:v1+s23+$0x0 ss:$0x1], $0xffff;
	[tilespmem:v0+s24+$0xFFFFFFE0 ss:$0x1] =	vst.idx.msk $0xffff, v4  }
0x12: {  	v57 =	vld.idx.msk [tilespmem:v1+s23+$0xFFFFFF90 ss:$0x1], $0xffff;
	[tilespmem:v0+s24+$0xFFFFFFF0 ss:$0x1] =	vst.idx.msk $0xffff, v2  }
0x13: {  	v58 =	vld.idx.msk [tilespmem:v1+s23+$0xFFFFFFA0 ss:$0x1], $0xffff;
	[tilespmem:v0+s24+$0x0 ss:$0x1] =	vst.idx.msk $0xffff, v3  }
0x14: {  	v59 =	vld.idx.msk [tilespmem:v1+s23+$0xFFFFFFB0 ss:$0x1], $0xffff;
	[tilespmem:v0+s24+$0x10 ss:$0x1] =	vst.idx.msk $0xffff, v5  }
0x15: {  	v60 =	vld.idx.msk [tilespmem:v1+s23+$0xFFFFFFC0 ss:$0x1], $0xffff;
	[tilespmem:v0+s24+$0x20 ss:$0x1] =	vst.idx.msk $0xffff, v7  }
0x16: {  	v61 =	vld.idx.msk [tilespmem:v1+s23+$0xFFFFFFD0 ss:$0x1], $0xffff;
	[tilespmem:v0+s23+$0x30 ss:$0x1] =	vst.idx.msk $0xffff, v56  }
0x17: {  	s28 =	sshll.u32 s19, $0x8;
	v62 =	vld.idx.msk [tilespmem:v1+s23+$0xFFFFFFE0 ss:$0x1], $0xffff;
	s21 =	sshll.u32 s21, $0x3;
	[tilespmem:v0+s23+$0xFFFFFFC0 ss:$0x1] =	vst.idx.msk $0xffff, v57  }
0x18: {  	s25 =	sshll.u32 s19, $0x7;
	v63 =	vld.idx.msk [tilespmem:v1+s23+$0xFFFFFFF0 ss:$0x1], $0xffff;
	s20 =	smul.u32 $0x66000, s20;
	s24 =	sand.u32 $0x7800, s28;
	[tilespmem:v0+s23+$0xFFFFFFD0 ss:$0x1] =	vst.idx.msk $0xffff, v58  }
0x19: {  	s18 =	sshll.u32 s18, $0xC;
	s29 =	sand.u32 $0x300, s25;
	s21 =	sor.u32 s24, s21;
	[tilespmem:v0+s23+$0xFFFFFFE0 ss:$0x1] =	vst.idx.msk $0xffff, v59  }
0x1a: {  	s30 =	sshll.u32 s19, $0x4;
	s20 =	sadd.s32 s4, s20;
	s21 =	sor.u32 s29, s21;
	[tilespmem:v0+s23+$0xFFFFFFF0 ss:$0x1] =	vst.idx.msk $0xffff, v60  }
0x1b: {  	s19 =	sand.u32 $0x10, s30;
	s18 =	sadd.s32 s18, s20;
	s21 =	sshrl.u32 s21, $0x3;
	[tilespmem:v0+s23+$0x0 ss:$0x1] =	vst.idx.msk $0xffff, v61  }
0x1c: {  	s18 =	sadd.s32 s19, s18;
	[tilespmem:v0+s23+$0x10 ss:$0x1] =	vst.idx.msk $0xffff, v62;
	s31 =	sand.u32 $0xFE0, s21  }
0x1d: {  	[tilespmem:v0+s23+$0x20 ss:$0x1] =	vst.idx.msk $0xffff, v63;
	s18 =	sadd.s32 s31, s18  }
0x1e: {  	[hbm4b:s18+s11] =	stream.strided.scatter [tilespmem:s22], [sflag:$0x2], $0x4000, s12, s11, $0x38;
	[tilespmem:$0x10000] =	vst v63  }
.LBB1_5:
0x1f: {  	s22 =	sadd.s32 $0x2, s14  }
0x20: {  	s18 =	sadd.s32 $0x80, s15;
	s23 =	smov.u32 s15;
	p1 =	sgt.s32 s22, $0x65  }
0x21: {  	s23 =	smov.u32 @p1 s18  }
0x22: {  	s24 =	smov.u32 s16;
	s18 =	sadd.s32 $0x8, s16;
	p2 =	sgt.s32 s23, $0x7F  }
0x23: {  	s24 =	smov.u32 @p2 s18  }
0x24: {  	s22 =	smov.u32 @p1 s2;
	p1 =	sgt.s32 s24, $0x7  }
0x25: {  	p0 =	slt.u32 s17, $0x2;
	s24 =	smov.u32 @p1 s8;
	p1 =	sne.s32 s17, s10  }
.Ltmp1:
0x26: {  	s19 =	smov.u32 s15;
	s21 =	simm.s32 @!p0 $0x2;
	(pc) =	sbr.rel @!p1 .LBB1_6-.Ltmp1, $4  }
0x27: {  	s20 =	smov.u32 s16;
	s13 =	sadd.s32 $0x4000, s13;
	_ =	swait.ge @!p0 [sflag:s21], $0x4000  }
0x28: {  	[sflag:s21] =	ssyncset.done @!p0 $0x0;
	s23 =	simm.s32 @p2 $0x0;
	s18 =	smov.u32 s14  }
0x29: {  	[sflag:s21] =	ssyncadd.s32 @!p0 $0xFFFFC000;
	s21 =	smov.u32 s3;
	s14 =	smov.u32 s22  }
0x2a: {  	s15 =	smov.u32 s23;
	s17 =	sadd.s32 $0x1, s17;
	s16 =	smov.u32 s24  }
.LBB1_1:
0x2b: {  	p0 =	sge.u32 s17, s7  }
0x2c: {  	s22 =	sshll.u32 @!p0 s14, $0x8  }
0x2d: {  	s23 =	sshll.u32 @!p0 s14, $0x7;
	s22 =	sand.u32 @!p0 $0xFFFFF800, s22  }
0x2e: {  	s23 =	sand.u32 @!p0 $0x300, s23;
	s22 =	sor.u32 @!p0 s9, s22  }
0x2f: {  	s22 =	sor.u32 @!p0 s23, s22  }
0x30: {  	s22 =	sshrl.u32 @!p0 s22, $0x8  }
0x31: {  	s23 =	smulhi.u32 @!p0 $0x2762763, s22  }
0x32: {  	s24 =	smul.u32 @!p0 $0x68000, s16  }
0x33: {  	s23 =	smul.u32 @!p0 $0x68, s23  }
0x34: {  	s31 =	sadd.s32 $0xFFFFFFFF, s17;
	s25 =	sxor.u32 @!p0 $0xFFFFFFFF, s17;
	s26 =	smul.u32 @!p0 $0xD00, s15  }
0x35: {  	s24 =	sadd.s32 @!p0 s5, s24;
	s22 =	ssub.s32 @!p0 s22, s23;
	s23 =	sshll.u32 @!p0 s14, $0x4  }
0x36: {  	s25 =	sshll.u32 @!p0 s25, $0xE;
	s24 =	sadd.s32 @!p0 s26, s24;
	s23 =	sand.u32 @!p0 $0x10, s23  }
0x37: {  	s25 =	sand.u32 @!p0 $0x4000, s25;
	s22 =	sshll.u32 @!p0 s22, $0x5;
	s23 =	sadd.s32 @!p0 s23, s24  }
0x38: {  	s24 =	simm.s32 @!p0 $0x6800;
	s22 =	sadd.s32 @!p0 s22, s23;
	s23 =	simm.s32 @!p0 $0x80  }
0x39: {  	[tilespmem:s25], [sflag:$0x1] =	stream.strided.gather @!p0 [hbm4b:s22+s23], $0x4000, s24, s23, $0x38;
	[tilespmem:$0x10000] =	vst v63  }
0x3a: {  	p0 =	sge.u32 s31, s7  }
.Ltmp2:
0x3b: {  	_ = 	snop;
	(pc) =	sbr.rel @p0 .LBB1_5-.Ltmp2, $1  }
0x3c: {  	_ =	sdelay $0x3  }
0x3d: {  	s22 =	sand.u32 $0x4000, s13  }
0x3e: {  	s23 =	sor.u32 $0x70, s22  }
0x3f: {  	v1 =	vmov s23;
	_ =	sdelay $0x1  }
0x40: {  	_ =	swait.ge [sflag:s6], $0x4000  }
0x41: {  	[sflag:s6] =	ssyncset.done $0x0  }
0x42: {  	s24 =	simm.s32 $0x0;
	[sflag:s6] =	ssyncadd.s32 $0xFFFFC000  }
0x43: {  	s22 =	sor.u32 $0x8040, s22;
	v7 =	vld.idx.msk [tilespmem:v1+s24+$0x0 ss:$0x1], $0xffff  }
0x44: {  	v0 =	vmov s22;
	v8 =	vld.idx.msk [tilespmem:v1+s24+$0xFFFFFF90 ss:$0x1], $0xffff  }
0x45: {  	v6 =	vld.idx.msk [tilespmem:v1+s24+$0xFFFFFFA0 ss:$0x1], $0xffff  }
0x46: {  	v4 =	vld.idx.msk [tilespmem:v1+s24+$0xFFFFFFB0 ss:$0x1], $0xffff  }
0x47: {  	v2 =	vld.idx.msk [tilespmem:v1+s24+$0xFFFFFFC0 ss:$0x1], $0xffff  }
0x48: {  	s31 =	sshll.u32 s17, $0xE;
	v3 =	vld.idx.msk [tilespmem:v1+s24+$0xFFFFFFD0 ss:$0x1], $0xffff  }
0x49: {  	s22 =	sand.u32 $0x4000, s31;
	v5 =	vld.idx.msk [tilespmem:v1+s24+$0xFFFFFFE0 ss:$0x1], $0xffff;
	[tilespmem:v0+s24+$0x30 ss:$0x1] =	vst.idx.msk $0xffff, v7  }
0x4a: {  	s25 =	simm.s32 $0x400;
	s23 =	simm.s32 $0x80;
	s22 =	sor.u32 $0x8000, s22;
	[tilespmem:v0+s24+$0xFFFFFFC0 ss:$0x1] =	vst.idx.msk $0xffff, v8;
	v7 =	vld.idx.msk [tilespmem:v1+s24+$0xFFFFFFF0 ss:$0x1], $0xffff  }
.LBB1_3:
0x4b: {  	p0 =	sne.s32 s25, $0xFE00;
	v8 =	vld.idx.msk [tilespmem:v1+s23+$0x0 ss:$0x1], $0xffff;
	[tilespmem:v0+s24+$0xFFFFFFD0 ss:$0x1] =	vst.idx.msk $0xffff, v6  }
0x4c: {  	v9 =	vld.idx.msk [tilespmem:v1+s23+$0xFFFFFF90 ss:$0x1], $0xffff;
	[tilespmem:v0+s24+$0xFFFFFFE0 ss:$0x1] =	vst.idx.msk $0xffff, v4  }
0x4d: {  	v6 =	vld.idx.msk [tilespmem:v1+s23+$0xFFFFFFA0 ss:$0x1], $0xffff;
	[tilespmem:v0+s24+$0xFFFFFFF0 ss:$0x1] =	vst.idx.msk $0xffff, v2  }
.Ltmp3:
0x4e: {  	v4 =	vld.idx.msk [tilespmem:v1+s23+$0xFFFFFFB0 ss:$0x1], $0xffff;
	[tilespmem:v0+s24+$0x0 ss:$0x1] =	vst.idx.msk $0xffff, v3;
	(pc) =	sbr.rel @p0 .LBB1_3-.Ltmp3, $4  }
0x4f: {  	v2 =	vld.idx.msk [tilespmem:v1+s23+$0xFFFFFFC0 ss:$0x1], $0xffff;
	[tilespmem:v0+s24+$0x10 ss:$0x1] =	vst.idx.msk $0xffff, v5  }
0x50: {  	v3 =	vld.idx.msk [tilespmem:v1+s23+$0xFFFFFFD0 ss:$0x1], $0xffff;
	[tilespmem:v0+s24+$0x20 ss:$0x1] =	vst.idx.msk $0xffff, v7;
	s24 =	smov.u32 s23  }
0x51: {  	v5 =	vld.idx.msk [tilespmem:v1+s24+$0xFFFFFFE0 ss:$0x1], $0xffff;
	[tilespmem:v0+s24+$0x30 ss:$0x1] =	vst.idx.msk $0xffff, v8  }
0x52: {  	s23 =	sshra.s32 s25, $0x2;
	s25 =	sadd.s32 $0x200, s25;
	[tilespmem:v0+s24+$0xFFFFFFC0 ss:$0x1] =	vst.idx.msk $0xffff, v9;
	v7 =	vld.idx.msk [tilespmem:v1+s24+$0xFFFFFFF0 ss:$0x1], $0xffff  }
.Ltmp4:
0x53: {  	_ = 	snop;
	(pc) =	sbr.rel .LBB1_4-.Ltmp4, $1  }
0x54: {  	_ =	sdelay $0x3  }
.LBB1_6:
0x55: {  	_ =	sfence.sel $0x180000  }
0x56: {  	s2 =	simm.s32 $0x1;
	[bflag:$0x0] =	sbarrier.arrive $0xFFFF  }
0x57: {  	s31 =	simm.s32 $0x2;
	[sflag:s2] =	ssyncpa.u1 $0x1  }
0x58: {  	[sflag:s31] =	ssyncpa.u1 $0x1  }
0x59: {  	p0 =	sne.s32 s0, $0x0;
	_ =	strace $0x90000047  }
0x5a: {  	s0 =	sadd.s32 @!p0 $0x100000, s1;
	[bflag:$0x2] =	sbarrier.arrive $0xFFFF  }
0x5b: {  	[sflag:s0] =	ssyncadd.tile.s32 @!p0 $0x1;
	_ =	shalt  }
.Lfunc_end1:
_tile_overlayer_lowered:
.L_overlay_start_2:
0x5c: {  	(tag) =	ssettag $0x2  }
0x5d: {  	s0 =	rddreg [dreg:$0x0];
	s2 =	stileid.u32  }
0x5e: {  	s1 =	rddreg [dreg:$0x1];
	p0 =	sne.s32 s2, $0x0  }
0x5f: {  	s3 =	rddreg [dreg:$0x2];
	[bflag:$0x3] =	sbarrier.arrive $0xFFFF;
	s2 =	simm.s32 @!p0 $0x1C01  }
0x60: {  	[timem:s3], [sflag:s2] =	dma.local @!p0 [hbm:s0], s1  }
0x61: {  	s0 =	simm.s32 @!p0 $0x1  }
0x62: {  	_ =	swait.ge @!p0 [sflag:s0], s1  }
0x63: {  	s1 =	ssub.s32 @!p0 $0x0, s1;
	[sflag:s0] =	ssyncset.done @!p0 $0x0  }
0x64: {  	[sflag:s0] =	ssyncadd.s32 @!p0 s1  }
0x65: {  	[bflag:$0x3] =	sbarrier.arrive $0xFFFF  }
0x66: {  	_ =	shalt  }

</sc_bundles>
